<compile_context>
chip_gen: v7x
topology: tpu7x:2x2x1
jax: 0.10.2.dev20260603
libtpu: 0.0.44.dev20260713+nightly
codegen_flags: <defaults>
</compile_context>

<pallas_src>
import dataclasses
import functools

import jax
import jax.numpy as jnp
from jax import lax
from jax.experimental import pallas as pl
from jax.experimental.pallas import tpu as pltpu
from jax.experimental.pallas import tpu_sc as plsc

NC = 2
NS = 16
NW = NC * NS
L = 16

K = 128


def _sc_compiler_params():
    cp = pltpu.CompilerParams()
    fields = pltpu.CompilerParams.__dataclass_fields__
    if "needs_layout_passes" in fields:
        cp = dataclasses.replace(cp, needs_layout_passes=False)
    if "use_tc_tiling_on_sc" in fields:
        cp = dataclasses.replace(cp, use_tc_tiling_on_sc=False)
    return cp


def _round_up(a, m):
    return (a + m - 1) // m * m



def _matmul(x, W):
    n, _ = x.shape
    f_out = W.shape[1]

    def body(x_ref, w_ref, o_ref):
        o_ref[...] = jnp.dot(x_ref[...], w_ref[...],
                             preferred_element_type=jnp.float32)

    return pl.pallas_call(
        body,
        out_shape=jax.ShapeDtypeStruct((n, f_out), jnp.float32),
    )(x, W)


def _scale(h, degp_t):
    n, f_out = h.shape

    def body(h_ref, d_ref, g_ref, s_ref):
        deg = d_ref[:, 0:1] + d_ref[:, 1:2] + 1.0
        dis = lax.rsqrt(deg)
        g_ref[...] = dis * h_ref[...]
        s_ref[...] = dis / deg

    return pl.pallas_call(
        body,
        out_shape=[
            jax.ShapeDtypeStruct((n, f_out), jnp.float32),
            jax.ShapeDtypeStruct((n, 1), jnp.float32),
        ],
    )(h, degp_t)


def _finish(acc, g, dscale, b2):
    n, f_out = g.shape

    def body(acc_ref, g_ref, s_ref, b_ref, o_ref):
        tot = acc_ref[0, :n, :] + acc_ref[1, :n, :] + g_ref[...]
        y = s_ref[...] * tot + b_ref[...]
        m = jnp.max(y, axis=1, keepdims=True)
        z = y - m
        o_ref[...] = z - jnp.log(jnp.sum(jnp.exp(z), axis=1, keepdims=True))

    return pl.pallas_call(
        body,
        out_shape=jax.ShapeDtypeStruct((n, f_out), jnp.float32),
    )(acc, g, dscale, b2)



def _degrees(dst_pad, n_pad, e_pad):
    ew = e_pad // NW
    rpw = n_pad // NS
    mesh = plsc.VectorSubcoreMesh(core_axis_name="c", subcore_axis_name="s")

    @functools.partial(
        pl.kernel,
        out_type=jax.ShapeDtypeStruct((NC, n_pad), jnp.float32),
        mesh=mesh,
        scratch_types=[
            pltpu.VMEM((ew,), jnp.int32),
            pltpu.VMEM((n_pad,), jnp.float32),
            pltpu.VMEM((rpw,), jnp.float32),
            pltpu.VMEM((rpw,), jnp.float32),
            pltpu.VMEM_SHARED((NS, n_pad), jnp.float32),
        ],
        compiler_params=_sc_compiler_params(),
    )
    def kern(dst_hbm, out_hbm, idx_v, cnt_v, acc_v, tmp_v, part_sh):
        c = lax.axis_index("c")
        s = lax.axis_index("s")
        w = c * NS + s

        zero16 = jnp.zeros((L,), jnp.float32)
        ones16 = jnp.ones((L,), jnp.float32)

        @pl.loop(0, n_pad, step=L)
        def _(i):
            cnt_v[pl.ds(i, L)] = zero16

        pltpu.sync_copy(dst_hbm.at[pl.ds(w * ew, ew)], idx_v)

        @pl.loop(0, ew, step=L)
        def _(i):
            plsc.addupdate_scatter(cnt_v, [idx_v[pl.ds(i, L)]], ones16)

        pltpu.sync_copy(cnt_v, part_sh.at[s])
        plsc.subcore_barrier()

        base = s * rpw
        pltpu.sync_copy(part_sh.at[0, pl.ds(base, rpw)], acc_v)

        @pl.loop(1, NS)
        def _(j):
            pltpu.sync_copy(part_sh.at[j, pl.ds(base, rpw)], tmp_v)

            @pl.loop(0, rpw, step=L)
            def _(k):
                acc_v[pl.ds(k, L)] = acc_v[pl.ds(k, L)] + tmp_v[pl.ds(k, L)]

        pltpu.sync_copy(acc_v, out_hbm.at[c, pl.ds(base, rpw)])

    return kern(dst_pad)



def _message_pass(g, src_r, dst_r, n_pad, e_pad):
    f_out = g.shape[1]
    nch = src_r.shape[1]
    rpw = n_pad // NS
    zr = 64
    NB = 4
    mesh = plsc.VectorSubcoreMesh(core_axis_name="c", subcore_axis_name="s")

    @functools.partial(
        pl.kernel,
        out_type=jax.ShapeDtypeStruct((NC, n_pad, f_out), jnp.float32),
        mesh=mesh,
        scratch_types=[
            pltpu.VMEM((nch, 1, K), jnp.int32),
            pltpu.VMEM((nch, 1, K), jnp.int32),
            [pltpu.VMEM((K, f_out), jnp.float32) for _ in range(NB)],
            pltpu.VMEM((zr, f_out), jnp.float32),
            pltpu.VMEM_SHARED((n_pad, f_out), jnp.float32),
            [pltpu.SemaphoreType.DMA for _ in range(NB)],
            [pltpu.SemaphoreType.DMA for _ in range(NB)],
        ],
        compiler_params=_sc_compiler_params(),
    )
    def kern(src_hbm, dst_hbm, g_hbm, out_hbm, sidx_v, didx_v, rows,
             zer_v, acc_sh, gsem, ssem):
        c = lax.axis_index("c")
        s = lax.axis_index("s")
        w = c * NS + s

        zero16 = jnp.zeros((L,), jnp.float32)

        @pl.loop(0, zr)
        def _(r):
            @pl.loop(0, f_out, step=L)
            def _(j):
                zer_v[r, pl.ds(j, L)] = zero16

        pltpu.sync_copy(src_hbm.at[w], sidx_v)
        pltpu.sync_copy(dst_hbm.at[w], didx_v)

        base_row = s * rpw

        @pl.loop(0, rpw, step=zr)
        def _(r):
            pltpu.sync_copy(zer_v, acc_sh.at[pl.ds(base_row + r, zr)])

        plsc.subcore_barrier()

        for b in range(NB):
            pltpu.async_copy(g_hbm.at[sidx_v.at[b, 0]], rows[b], gsem[b])

        @pl.loop(0, nch, step=NB)
        def _(i):
            for b in range(NB):
                pltpu.make_async_copy(g_hbm.at[sidx_v.at[i + b, 0]],
                                      rows[b], gsem[b]).wait()
                pltpu.async_copy(rows[b], acc_sh.at[didx_v.at[i + b, 0]],
                                 ssem[b], add=True)
            for b in range(NB):
                pltpu.make_async_copy(rows[b],
                                      acc_sh.at[didx_v.at[i + b, 0]],
                                      ssem[b]).wait()

                @pl.when(i + NB < nch)
                def _():
                    pltpu.async_copy(g_hbm.at[sidx_v.at[i + NB + b, 0]],
                                     rows[b], gsem[b])

        plsc.subcore_barrier()
        pltpu.sync_copy(acc_sh.at[pl.ds(base_row, rpw)],
                        out_hbm.at[c, pl.ds(base_row, rpw)])

    return kern(src_r, dst_r, g)



def kernel(x, edge_index, W, b):
    n, _ = x.shape
    f_out = W.shape[1]
    e = edge_index.shape[1]

    n_pad = _round_up(n + 1, NS * 64)
    e_pad = _round_up(e, NW * K * 4)

    pad_e = e_pad - e
    src_pad = jnp.concatenate(
        [edge_index[0], jnp.zeros((pad_e,), jnp.int32)])
    dst_pad = jnp.concatenate(
        [edge_index[1], jnp.full((pad_e,), n, jnp.int32)])
    nch = e_pad // (NW * K)
    src_r = jnp.reshape(src_pad, (NW, nch, 1, K))
    dst_r = jnp.reshape(dst_pad, (NW, nch, 1, K))

    h = _matmul(x, W)
    degp = _degrees(dst_pad, n_pad, e_pad)

    degp_t = jnp.transpose(degp)[:n]
    g, dscale = _scale(h, degp_t)

    acc = _message_pass(g, src_r, dst_r, n_pad, e_pad)

    return _finish(acc, g, dscale, jnp.reshape(b, (1, f_out)))

# --- scband reference (transcript-rebuilt; emitter-appended) ---
"""Pipeline reference for scband-gcn4-63780264346288 (READ-ONLY COPY).

The authoritative reference and input builder live on the scoring server;
editing this copy changes nothing except your own understanding.
"""

import jax, jax.numpy as jnp
import numpy as np

N = 10000
E = 320000
F_IN = 128
F_OUT = 64


def setup_inputs(seed: int = 0) -> dict:
    key = jax.random.key(seed)
    k1, k2, k3, k4 = jax.random.split(key, 4)
    x = jax.random.normal(k1, (N, F_IN), dtype=jnp.float32)
    edge_index = jax.random.randint(k2, (2, E), 0, N, dtype=jnp.int32)
    # GCNConv linear weight (glorot) and bias (zeros in PyG, use small random here)
    W = jax.random.normal(k3, (F_IN, F_OUT), dtype=jnp.float32) * (1.0 / np.sqrt(F_IN))
    b = jnp.zeros((F_OUT,), dtype=jnp.float32)
    return {"x": x, "edge_index": edge_index, "W": W, "b": b}


def reference(x, edge_index, W, b):
    # GCNConv(in, out, aggr='mean'): h = x @ W, add self-loops, symmetric
    # normalization norm = deg^{-1/2}[src] * deg^{-1/2}[dst], message = norm * h[src],
    # MEAN aggregation over incoming edges (aggr override), then + bias.
    n = x.shape[0]
    h = x @ W
    loops = jnp.arange(n, dtype=edge_index.dtype)
    src = jnp.concatenate([edge_index[0], loops])
    dst = jnp.concatenate([edge_index[1], loops])
    ones = jnp.ones_like(dst, dtype=jnp.float32)
    deg = jax.ops.segment_sum(ones, dst, num_segments=n)
    deg_inv_sqrt = jnp.where(deg > 0, jax.lax.rsqrt(jnp.maximum(deg, 1e-12)), 0.0)
    norm = deg_inv_sqrt[src] * deg_inv_sqrt[dst]
    msg = norm[:, None] * jnp.take(h, src, axis=0)
    agg_sum = jax.ops.segment_sum(msg, dst, num_segments=n)
    cnt = jax.ops.segment_sum(ones, dst, num_segments=n)
    agg = agg_sum / jnp.maximum(cnt, 1.0)[:, None]
    out = agg + b
    return jax.nn.log_softmax(out, axis=1)

if __name__ == "__main__":
    import jax
    _d = setup_inputs()
    print(jax.jit(kernel)(*tuple(_d.values())))

</pallas_src>

<mosaic_0001>
#map = affine_map<(d0, d1) -> (0, 0, 0, 0)>
#map1 = affine_map<(d0, d1) -> (0, 0)>
#map2 = affine_map<(d0, d1) -> (0, 0, 0)>
module attributes {stable_mosaic.version = 14 : i64} {
  func.func @kern(%arg0: i32, %arg1: i32, %arg2: memref<32x80x1x128xi32, #tpu.memory_space<hbm>>, %arg3: memref<32x80x1x128xi32, #tpu.memory_space<hbm>>, %arg4: memref<10000x64xf32, #tpu.memory_space<hbm>>, %arg5: memref<2x10240x64xf32, #tpu.memory_space<hbm>>, %arg6: memref<80x1x128xi32, #tpu.memory_space<vmem>>, %arg7: memref<80x1x128xi32, #tpu.memory_space<vmem>>, %arg8: memref<128x64xf32, #tpu.memory_space<vmem>>, %arg9: memref<128x64xf32, #tpu.memory_space<vmem>>, %arg10: memref<128x64xf32, #tpu.memory_space<vmem>>, %arg11: memref<128x64xf32, #tpu.memory_space<vmem>>, %arg12: memref<64x64xf32, #tpu.memory_space<vmem>>, %arg13: memref<10240x64xf32, #tpu.memory_space<vmem_shared>>, %arg14: memref<!tpu.dma_semaphore, #tpu.memory_space<semaphore_mem>>, %arg15: memref<!tpu.dma_semaphore, #tpu.memory_space<semaphore_mem>>, %arg16: memref<!tpu.dma_semaphore, #tpu.memory_space<semaphore_mem>>, %arg17: memref<!tpu.dma_semaphore, #tpu.memory_space<semaphore_mem>>, %arg18: memref<!tpu.dma_semaphore, #tpu.memory_space<semaphore_mem>>, %arg19: memref<!tpu.dma_semaphore, #tpu.memory_space<semaphore_mem>>, %arg20: memref<!tpu.dma_semaphore, #tpu.memory_space<semaphore_mem>>, %arg21: memref<!tpu.dma_semaphore, #tpu.memory_space<semaphore_mem>>) attributes {dimension_semantics = [#tpu.dimension_semantics<core_parallel>, #tpu.dimension_semantics<subcore_parallel>], iteration_bounds = array<i64: 2, 16>, scalar_prefetch = 0 : i64, scratch_operands = 16 : i64, tpu.core_type = #tpu.core_type<sc_vector_subcore>, window_params = [{transform_indices = #map}, {transform_indices = #map}, {transform_indices = #map1}, {transform_indices = #map2}]} {
    %mul3A = arith.constant 16 : i32
    %mul3A_0 = arith.muli %arg0, %mul3A : i32
    %add3A = arith.addi %mul3A_0, %arg1 : i32
    %broadcast_in_dim3A = arith.constant 0.000000e+00 : f32
    %broadcast_in_dim3A_1 = vector.broadcast %broadcast_in_dim3A : f32 to vector<16xf32>
    %scan3A = arith.constant 0 : i32
    %scan3A_2 = arith.constant 64 : i32
    %scan3A_3 = arith.addi %scan3A, %scan3A_2 : i32
    %scan3A_4 = arith.constant 1 : i32
    scf.for %scan3A_50 = %scan3A to %scan3A_3 step %scan3A_4  : i32 {
      %mul3A_51 = arith.constant 1 : i32
      %mul3A_52 = arith.muli %scan3A_50, %mul3A_51 : i32
      %add3A_53 = arith.constant 0 : i32
      %add3A_54 = arith.addi %add3A_53, %mul3A_52 : i32
      %scan3A_55 = arith.constant 0 : i32
      %scan3A_56 = arith.constant 4 : i32
      %scan3A_57 = arith.addi %scan3A_55, %scan3A_56 : i32
      %scan3A_58 = arith.constant 1 : i32
      scf.for %scan3A_60 = %scan3A_55 to %scan3A_57 step %scan3A_58  : i32 {
        %mul3A_61 = arith.constant 16 : i32
        %mul3A_62 = arith.muli %scan3A_60, %mul3A_61 : i32
        %add3A_63 = arith.constant 0 : i32
        %add3A_64 = arith.addi %add3A_63, %mul3A_62 : i32
        %swap3A = arith.index_cast %add3A_54 : i32 to index
        %swap3A_65 = arith.index_cast %add3A_64 : i32 to index
        %swap3A_66 = tpu.vector_load %arg12[%swap3A, %swap3A_65] {strides = array<i32>} : memref<64x64xf32, #tpu.memory_space<vmem>>, vector<16xf32>,
        tpu.vector_store %arg12[%swap3A, %swap3A_65], %broadcast_in_dim3A_1 {strides = array<i32>} : memref<64x64xf32, #tpu.memory_space<vmem>>, vector<16xf32>,
      }
      %scan3A_59 = arith.constant 4 : i32
    }
    %scan3A_5 = arith.constant 64 : i32
    "tpu.region"() ({
      %run_scoped3A = tpu.sem_alloc : memref<!tpu.dma_semaphore, #tpu.memory_space<semaphore_mem>>
      %dma_start3A_50 = arith.constant 0 : i32
      %dma_start3A_51 = arith.constant 0 : i32
      %dma_start3A_52 = arith.constant 0 : i32
      %dma_start3A_53 = tpu.memref_slice %arg2[%add3A, %dma_start3A_50, %dma_start3A_51, %dma_start3A_52] : memref<32x80x1x128xi32, #tpu.memory_space<hbm>> -> memref<1x80x1x128xi32, #tpu.memory_space<hbm>>
      %dma_start3A_54 = tpu.memref_squeeze %dma_start3A_53 : memref<1x80x1x128xi32, #tpu.memory_space<hbm>> -> memref<80x1x128xi32, #tpu.memory_space<hbm>>
      %dma_start3A_55 = arith.constant 0 : i32
      %dma_start3A_56 = arith.constant 0 : i32
      %dma_start3A_57 = arith.constant 0 : i32
      %dma_start3A_58 = tpu.memref_slice %arg2[%add3A, %dma_start3A_55, %dma_start3A_56, %dma_start3A_57] : memref<32x80x1x128xi32, #tpu.memory_space<hbm>> -> memref<1x80x1x128xi32, #tpu.memory_space<hbm>>
      %dma_start3A_59 = tpu.memref_squeeze %dma_start3A_58 : memref<1x80x1x128xi32, #tpu.memory_space<hbm>> -> memref<80x1x128xi32, #tpu.memory_space<hbm>>
      tpu.enqueue_dma source(%dma_start3A_59 : memref<80x1x128xi32, #tpu.memory_space<hbm>>) target(%arg6 : memref<80x1x128xi32, #tpu.memory_space<vmem>>) target_semaphore(%run_scoped3A : memref<!tpu.dma_semaphore, #tpu.memory_space<semaphore_mem>>)
      %dma_wait3A = arith.constant 0 : i32
      %dma_wait3A_60 = arith.constant 0 : i32
      %dma_wait3A_61 = arith.constant 0 : i32
      %dma_wait3A_62 = tpu.memref_slice %arg2[%add3A, %dma_wait3A, %dma_wait3A_60, %dma_wait3A_61] : memref<32x80x1x128xi32, #tpu.memory_space<hbm>> -> memref<1x80x1x128xi32, #tpu.memory_space<hbm>>
      %dma_wait3A_63 = tpu.memref_squeeze %dma_wait3A_62 : memref<1x80x1x128xi32, #tpu.memory_space<hbm>> -> memref<80x1x128xi32, #tpu.memory_space<hbm>>
      %dma_wait3A_64 = arith.constant 0 : i32
      %dma_wait3A_65 = arith.constant 0 : i32
      %dma_wait3A_66 = arith.constant 0 : i32
      %dma_wait3A_67 = tpu.memref_slice %arg2[%add3A, %dma_wait3A_64, %dma_wait3A_65, %dma_wait3A_66] : memref<32x80x1x128xi32, #tpu.memory_space<hbm>> -> memref<1x80x1x128xi32, #tpu.memory_space<hbm>>
      %dma_wait3A_68 = tpu.memref_squeeze %dma_wait3A_67 : memref<1x80x1x128xi32, #tpu.memory_space<hbm>> -> memref<80x1x128xi32, #tpu.memory_space<hbm>>
      tpu.wait_dma2 semaphore(%run_scoped3A : memref<!tpu.dma_semaphore, #tpu.memory_space<semaphore_mem>>) src(%dma_wait3A_68 : memref<80x1x128xi32, #tpu.memory_space<hbm>>) dst(%arg6 : memref<80x1x128xi32, #tpu.memory_space<vmem>>)
      tpu.yield
    }) : () -> ()
    "tpu.region"() ({
      %run_scoped3A = tpu.sem_alloc : memref<!tpu.dma_semaphore, #tpu.memory_space<semaphore_mem>>
      %dma_start3A_50 = arith.constant 0 : i32
      %dma_start3A_51 = arith.constant 0 : i32
      %dma_start3A_52 = arith.constant 0 : i32
      %dma_start3A_53 = tpu.memref_slice %arg3[%add3A, %dma_start3A_50, %dma_start3A_51, %dma_start3A_52] : memref<32x80x1x128xi32, #tpu.memory_space<hbm>> -> memref<1x80x1x128xi32, #tpu.memory_space<hbm>>
      %dma_start3A_54 = tpu.memref_squeeze %dma_start3A_53 : memref<1x80x1x128xi32, #tpu.memory_space<hbm>> -> memref<80x1x128xi32, #tpu.memory_space<hbm>>
      %dma_start3A_55 = arith.constant 0 : i32
      %dma_start3A_56 = arith.constant 0 : i32
      %dma_start3A_57 = arith.constant 0 : i32
      %dma_start3A_58 = tpu.memref_slice %arg3[%add3A, %dma_start3A_55, %dma_start3A_56, %dma_start3A_57] : memref<32x80x1x128xi32, #tpu.memory_space<hbm>> -> memref<1x80x1x128xi32, #tpu.memory_space<hbm>>
      %dma_start3A_59 = tpu.memref_squeeze %dma_start3A_58 : memref<1x80x1x128xi32, #tpu.memory_space<hbm>> -> memref<80x1x128xi32, #tpu.memory_space<hbm>>
      tpu.enqueue_dma source(%dma_start3A_59 : memref<80x1x128xi32, #tpu.memory_space<hbm>>) target(%arg7 : memref<80x1x128xi32, #tpu.memory_space<vmem>>) target_semaphore(%run_scoped3A : memref<!tpu.dma_semaphore, #tpu.memory_space<semaphore_mem>>)
      %dma_wait3A = arith.constant 0 : i32
      %dma_wait3A_60 = arith.constant 0 : i32
      %dma_wait3A_61 = arith.constant 0 : i32
      %dma_wait3A_62 = tpu.memref_slice %arg3[%add3A, %dma_wait3A, %dma_wait3A_60, %dma_wait3A_61] : memref<32x80x1x128xi32, #tpu.memory_space<hbm>> -> memref<1x80x1x128xi32, #tpu.memory_space<hbm>>
      %dma_wait3A_63 = tpu.memref_squeeze %dma_wait3A_62 : memref<1x80x1x128xi32, #tpu.memory_space<hbm>> -> memref<80x1x128xi32, #tpu.memory_space<hbm>>
      %dma_wait3A_64 = arith.constant 0 : i32
      %dma_wait3A_65 = arith.constant 0 : i32
      %dma_wait3A_66 = arith.constant 0 : i32
      %dma_wait3A_67 = tpu.memref_slice %arg3[%add3A, %dma_wait3A_64, %dma_wait3A_65, %dma_wait3A_66] : memref<32x80x1x128xi32, #tpu.memory_space<hbm>> -> memref<1x80x1x128xi32, #tpu.memory_space<hbm>>
      %dma_wait3A_68 = tpu.memref_squeeze %dma_wait3A_67 : memref<1x80x1x128xi32, #tpu.memory_space<hbm>> -> memref<80x1x128xi32, #tpu.memory_space<hbm>>
      tpu.wait_dma2 semaphore(%run_scoped3A : memref<!tpu.dma_semaphore, #tpu.memory_space<semaphore_mem>>) src(%dma_wait3A_68 : memref<80x1x128xi32, #tpu.memory_space<hbm>>) dst(%arg7 : memref<80x1x128xi32, #tpu.memory_space<vmem>>)
      tpu.yield
    }) : () -> ()
    %mul3A_6 = arith.constant 640 : i32
    %mul3A_7 = arith.muli %arg1, %mul3A_6 : i32
    %scan3A_8 = arith.constant 0 : i32
    %scan3A_9 = arith.constant 10 : i32
    %scan3A_10 = arith.addi %scan3A_8, %scan3A_9 : i32
    %scan3A_11 = arith.constant 1 : i32
    scf.for %scan3A_50 = %scan3A_8 to %scan3A_10 step %scan3A_11  : i32 {
      %mul3A_51 = arith.constant 64 : i32
      %mul3A_52 = arith.muli %scan3A_50, %mul3A_51 : i32
      %add3A_53 = arith.constant 0 : i32
      %add3A_54 = arith.addi %add3A_53, %mul3A_52 : i32
      %add3A_55 = arith.addi %mul3A_7, %add3A_54 : i32
      "tpu.region"() ({
        %run_scoped3A = tpu.sem_alloc : memref<!tpu.dma_semaphore, #tpu.memory_space<semaphore_mem>>
        %dma_start3A_56 = arith.constant 0 : i32
        %dma_start3A_57 = tpu.memref_slice %arg13[%add3A_55, %dma_start3A_56] : memref<10240x64xf32, #tpu.memory_space<vmem_shared>> -> memref<64x64xf32, #tpu.memory_space<vmem_shared>>
        %dma_start3A_58 = arith.constant 0 : i32
        %dma_start3A_59 = tpu.memref_slice %arg13[%add3A_55, %dma_start3A_58] : memref<10240x64xf32, #tpu.memory_space<vmem_shared>> -> memref<64x64xf32, #tpu.memory_space<vmem_shared>>
        tpu.enqueue_dma source(%arg12 : memref<64x64xf32, #tpu.memory_space<vmem>>) target(%dma_start3A_59 : memref<64x64xf32, #tpu.memory_space<vmem_shared>>) target_semaphore(%run_scoped3A : memref<!tpu.dma_semaphore, #tpu.memory_space<semaphore_mem>>)
        %dma_wait3A = arith.constant 0 : i32
        %dma_wait3A_60 = tpu.memref_slice %arg13[%add3A_55, %dma_wait3A] : memref<10240x64xf32, #tpu.memory_space<vmem_shared>> -> memref<64x64xf32, #tpu.memory_space<vmem_shared>>
        %dma_wait3A_61 = arith.constant 0 : i32
        %dma_wait3A_62 = tpu.memref_slice %arg13[%add3A_55, %dma_wait3A_61] : memref<10240x64xf32, #tpu.memory_space<vmem_shared>> -> memref<64x64xf32, #tpu.memory_space<vmem_shared>>
        tpu.wait_dma2 semaphore(%run_scoped3A : memref<!tpu.dma_semaphore, #tpu.memory_space<semaphore_mem>>) src(%arg12 : memref<64x64xf32, #tpu.memory_space<vmem>>) dst(%dma_wait3A_62 : memref<64x64xf32, #tpu.memory_space<vmem_shared>>)
        tpu.yield
      }) : () -> ()
    }
    %scan3A_12 = arith.constant 10 : i32
    %barrier3A = arith.constant 0 : index
    tpu.barrier barrier_id(%barrier3A)
    %dma_start3A = arith.constant 0 : i32
    %dma_start3A_13 = arith.constant 0 : i32
    %dma_start3A_14 = arith.constant 0 : i32
    %dma_start3A_15 = tpu.memref_slice %arg6[%dma_start3A, %dma_start3A_13, %dma_start3A_14] : memref<80x1x128xi32, #tpu.memory_space<vmem>> -> memref<1x1x128xi32, #tpu.memory_space<vmem>>
    %dma_start3A_16 = tpu.memref_squeeze %dma_start3A_15 : memref<1x1x128xi32, #tpu.memory_space<vmem>> -> memref<128xi32, #tpu.memory_space<vmem>>
    %dma_start3A_17 = arith.constant 0 : i32
    %dma_start3A_18 = arith.constant 0 : i32
    %dma_start3A_19 = tpu.memref_slice %arg4[%dma_start3A_17, %dma_start3A_18] : memref<10000x64xf32, #tpu.memory_space<hbm>> -> memref<10000x64xf32, #tpu.memory_space<hbm>>
    tpu.enqueue_indirect_dma source(%dma_start3A_19 : memref<10000x64xf32, #tpu.memory_space<hbm>>) target(%arg8 : memref<128x64xf32, #tpu.memory_space<vmem>>) offsets(%dma_start3A_16 : memref<128xi32, #tpu.memory_space<vmem>>) semaphore(%arg14 : memref<!tpu.dma_semaphore, #tpu.memory_space<semaphore_mem>>)
    %dma_start3A_20 = arith.constant 1 : i32
    %dma_start3A_21 = arith.constant 0 : i32
    %dma_start3A_22 = arith.constant 0 : i32
    %dma_start3A_23 = tpu.memref_slice %arg6[%dma_start3A_20, %dma_start3A_21, %dma_start3A_22] : memref<80x1x128xi32, #tpu.memory_space<vmem>> -> memref<1x1x128xi32, #tpu.memory_space<vmem>>
    %dma_start3A_24 = tpu.memref_squeeze %dma_start3A_23 : memref<1x1x128xi32, #tpu.memory_space<vmem>> -> memref<128xi32, #tpu.memory_space<vmem>>
    %dma_start3A_25 = arith.constant 0 : i32
    %dma_start3A_26 = arith.constant 0 : i32
    %dma_start3A_27 = tpu.memref_slice %arg4[%dma_start3A_25, %dma_start3A_26] : memref<10000x64xf32, #tpu.memory_space<hbm>> -> memref<10000x64xf32, #tpu.memory_space<hbm>>
    tpu.enqueue_indirect_dma source(%dma_start3A_27 : memref<10000x64xf32, #tpu.memory_space<hbm>>) target(%arg9 : memref<128x64xf32, #tpu.memory_space<vmem>>) offsets(%dma_start3A_24 : memref<128xi32, #tpu.memory_space<vmem>>) semaphore(%arg15 : memref<!tpu.dma_semaphore, #tpu.memory_space<semaphore_mem>>)
    %dma_start3A_28 = arith.constant 2 : i32
    %dma_start3A_29 = arith.constant 0 : i32
    %dma_start3A_30 = arith.constant 0 : i32
    %dma_start3A_31 = tpu.memref_slice %arg6[%dma_start3A_28, %dma_start3A_29, %dma_start3A_30] : memref<80x1x128xi32, #tpu.memory_space<vmem>> -> memref<1x1x128xi32, #tpu.memory_space<vmem>>
    %dma_start3A_32 = tpu.memref_squeeze %dma_start3A_31 : memref<1x1x128xi32, #tpu.memory_space<vmem>> -> memref<128xi32, #tpu.memory_space<vmem>>
    %dma_start3A_33 = arith.constant 0 : i32
    %dma_start3A_34 = arith.constant 0 : i32
    %dma_start3A_35 = tpu.memref_slice %arg4[%dma_start3A_33, %dma_start3A_34] : memref<10000x64xf32, #tpu.memory_space<hbm>> -> memref<10000x64xf32, #tpu.memory_space<hbm>>
    tpu.enqueue_indirect_dma source(%dma_start3A_35 : memref<10000x64xf32, #tpu.memory_space<hbm>>) target(%arg10 : memref<128x64xf32, #tpu.memory_space<vmem>>) offsets(%dma_start3A_32 : memref<128xi32, #tpu.memory_space<vmem>>) semaphore(%arg16 : memref<!tpu.dma_semaphore, #tpu.memory_space<semaphore_mem>>)
    %dma_start3A_36 = arith.constant 3 : i32
    %dma_start3A_37 = arith.constant 0 : i32
    %dma_start3A_38 = arith.constant 0 : i32
    %dma_start3A_39 = tpu.memref_slice %arg6[%dma_start3A_36, %dma_start3A_37, %dma_start3A_38] : memref<80x1x128xi32, #tpu.memory_space<vmem>> -> memref<1x1x128xi32, #tpu.memory_space<vmem>>
    %dma_start3A_40 = tpu.memref_squeeze %dma_start3A_39 : memref<1x1x128xi32, #tpu.memory_space<vmem>> -> memref<128xi32, #tpu.memory_space<vmem>>
    %dma_start3A_41 = arith.constant 0 : i32
    %dma_start3A_42 = arith.constant 0 : i32
    %dma_start3A_43 = tpu.memref_slice %arg4[%dma_start3A_41, %dma_start3A_42] : memref<10000x64xf32, #tpu.memory_space<hbm>> -> memref<10000x64xf32, #tpu.memory_space<hbm>>
    tpu.enqueue_indirect_dma source(%dma_start3A_43 : memref<10000x64xf32, #tpu.memory_space<hbm>>) target(%arg11 : memref<128x64xf32, #tpu.memory_space<vmem>>) offsets(%dma_start3A_40 : memref<128xi32, #tpu.memory_space<vmem>>) semaphore(%arg17 : memref<!tpu.dma_semaphore, #tpu.memory_space<semaphore_mem>>)
    %scan3A_44 = arith.constant 0 : i32
    %scan3A_45 = arith.constant 20 : i32
    %scan3A_46 = arith.addi %scan3A_44, %scan3A_45 : i32
    %scan3A_47 = arith.constant 1 : i32
    scf.for %scan3A_50 = %scan3A_44 to %scan3A_46 step %scan3A_47  : i32 {
      %mul3A_51 = arith.constant 4 : i32
      %mul3A_52 = arith.muli %scan3A_50, %mul3A_51 : i32
      %add3A_53 = arith.constant 0 : i32
      %add3A_54 = arith.addi %add3A_53, %mul3A_52 : i32
      %add3A_55 = arith.constant 0 : i32
      %add3A_56 = arith.addi %add3A_54, %add3A_55 : i32
      %dma_wait3A = arith.constant 0 : i32
      %dma_wait3A_57 = arith.constant 0 : i32
      %dma_wait3A_58 = tpu.memref_slice %arg6[%add3A_56, %dma_wait3A, %dma_wait3A_57] : memref<80x1x128xi32, #tpu.memory_space<vmem>> -> memref<1x1x128xi32, #tpu.memory_space<vmem>>
      %dma_wait3A_59 = tpu.memref_squeeze %dma_wait3A_58 : memref<1x1x128xi32, #tpu.memory_space<vmem>> -> memref<128xi32, #tpu.memory_space<vmem>>
      %dma_wait3A_60 = arith.constant 0 : i32
      %dma_wait3A_61 = arith.constant 0 : i32
      %dma_wait3A_62 = tpu.memref_slice %arg4[%dma_wait3A_60, %dma_wait3A_61] : memref<10000x64xf32, #tpu.memory_space<hbm>> -> memref<10000x64xf32, #tpu.memory_space<hbm>>
      tpu.wait_indirect_dma semaphore(%arg14 : memref<!tpu.dma_semaphore, #tpu.memory_space<semaphore_mem>>) src(%dma_wait3A_62 : memref<10000x64xf32, #tpu.memory_space<hbm>>) dst(%arg8 : memref<128x64xf32, #tpu.memory_space<vmem>>)
      %add3A_63 = arith.constant 0 : i32
      %add3A_64 = arith.addi %add3A_54, %add3A_63 : i32
      %dma_start3A_65 = arith.constant 0 : i32
      %dma_start3A_66 = arith.constant 0 : i32
      %dma_start3A_67 = tpu.memref_slice %arg7[%add3A_64, %dma_start3A_65, %dma_start3A_66] : memref<80x1x128xi32, #tpu.memory_space<vmem>> -> memref<1x1x128xi32, #tpu.memory_space<vmem>>
      %dma_start3A_68 = tpu.memref_squeeze %dma_start3A_67 : memref<1x1x128xi32, #tpu.memory_space<vmem>> -> memref<128xi32, #tpu.memory_space<vmem>>
      %dma_start3A_69 = arith.constant 0 : i32
      %dma_start3A_70 = arith.constant 0 : i32
      %dma_start3A_71 = tpu.memref_slice %arg13[%dma_start3A_69, %dma_start3A_70] : memref<10240x64xf32, #tpu.memory_space<vmem_shared>> -> memref<10240x64xf32, #tpu.memory_space<vmem_shared>>
      tpu.enqueue_indirect_dma source(%arg8 : memref<128x64xf32, #tpu.memory_space<vmem>>) target(%dma_start3A_71 : memref<10240x64xf32, #tpu.memory_space<vmem_shared>>) offsets(%dma_start3A_68 : memref<128xi32, #tpu.memory_space<vmem>>) semaphore(%arg18 : memref<!tpu.dma_semaphore, #tpu.memory_space<semaphore_mem>>) {add = true}
      %add3A_72 = arith.constant 1 : i32
      %add3A_73 = arith.addi %add3A_54, %add3A_72 : i32
      %dma_wait3A_74 = arith.constant 0 : i32
      %dma_wait3A_75 = arith.constant 0 : i32
      %dma_wait3A_76 = tpu.memref_slice %arg6[%add3A_73, %dma_wait3A_74, %dma_wait3A_75] : memref<80x1x128xi32, #tpu.memory_space<vmem>> -> memref<1x1x128xi32, #tpu.memory_space<vmem>>
      %dma_wait3A_77 = tpu.memref_squeeze %dma_wait3A_76 : memref<1x1x128xi32, #tpu.memory_space<vmem>> -> memref<128xi32, #tpu.memory_space<vmem>>
      %dma_wait3A_78 = arith.constant 0 : i32
      %dma_wait3A_79 = arith.constant 0 : i32
      %dma_wait3A_80 = tpu.memref_slice %arg4[%dma_wait3A_78, %dma_wait3A_79] : memref<10000x64xf32, #tpu.memory_space<hbm>> -> memref<10000x64xf32, #tpu.memory_space<hbm>>
      tpu.wait_indirect_dma semaphore(%arg15 : memref<!tpu.dma_semaphore, #tpu.memory_space<semaphore_mem>>) src(%dma_wait3A_80 : memref<10000x64xf32, #tpu.memory_space<hbm>>) dst(%arg9 : memref<128x64xf32, #tpu.memory_space<vmem>>)
      %add3A_81 = arith.constant 1 : i32
      %add3A_82 = arith.addi %add3A_54, %add3A_81 : i32
      %dma_start3A_83 = arith.constant 0 : i32
      %dma_start3A_84 = arith.constant 0 : i32
      %dma_start3A_85 = tpu.memref_slice %arg7[%add3A_82, %dma_start3A_83, %dma_start3A_84] : memref<80x1x128xi32, #tpu.memory_space<vmem>> -> memref<1x1x128xi32, #tpu.memory_space<vmem>>
      %dma_start3A_86 = tpu.memref_squeeze %dma_start3A_85 : memref<1x1x128xi32, #tpu.memory_space<vmem>> -> memref<128xi32, #tpu.memory_space<vmem>>
      %dma_start3A_87 = arith.constant 0 : i32
      %dma_start3A_88 = arith.constant 0 : i32
      %dma_start3A_89 = tpu.memref_slice %arg13[%dma_start3A_87, %dma_start3A_88] : memref<10240x64xf32, #tpu.memory_space<vmem_shared>> -> memref<10240x64xf32, #tpu.memory_space<vmem_shared>>
      tpu.enqueue_indirect_dma source(%arg9 : memref<128x64xf32, #tpu.memory_space<vmem>>) target(%dma_start3A_89 : memref<10240x64xf32, #tpu.memory_space<vmem_shared>>) offsets(%dma_start3A_86 : memref<128xi32, #tpu.memory_space<vmem>>) semaphore(%arg19 : memref<!tpu.dma_semaphore, #tpu.memory_space<semaphore_mem>>) {add = true}
      %add3A_90 = arith.constant 2 : i32
      %add3A_91 = arith.addi %add3A_54, %add3A_90 : i32
      %dma_wait3A_92 = arith.constant 0 : i32
      %dma_wait3A_93 = arith.constant 0 : i32
      %dma_wait3A_94 = tpu.memref_slice %arg6[%add3A_91, %dma_wait3A_92, %dma_wait3A_93] : memref<80x1x128xi32, #tpu.memory_space<vmem>> -> memref<1x1x128xi32, #tpu.memory_space<vmem>>
      %dma_wait3A_95 = tpu.memref_squeeze %dma_wait3A_94 : memref<1x1x128xi32, #tpu.memory_space<vmem>> -> memref<128xi32, #tpu.memory_space<vmem>>
      %dma_wait3A_96 = arith.constant 0 : i32
      %dma_wait3A_97 = arith.constant 0 : i32
      %dma_wait3A_98 = tpu.memref_slice %arg4[%dma_wait3A_96, %dma_wait3A_97] : memref<10000x64xf32, #tpu.memory_space<hbm>> -> memref<10000x64xf32, #tpu.memory_space<hbm>>
      tpu.wait_indirect_dma semaphore(%arg16 : memref<!tpu.dma_semaphore, #tpu.memory_space<semaphore_mem>>) src(%dma_wait3A_98 : memref<10000x64xf32, #tpu.memory_space<hbm>>) dst(%arg10 : memref<128x64xf32, #tpu.memory_space<vmem>>)
      %add3A_99 = arith.constant 2 : i32
      %add3A_100 = arith.addi %add3A_54, %add3A_99 : i32
      %dma_start3A_101 = arith.constant 0 : i32
      %dma_start3A_102 = arith.constant 0 : i32
      %dma_start3A_103 = tpu.memref_slice %arg7[%add3A_100, %dma_start3A_101, %dma_start3A_102] : memref<80x1x128xi32, #tpu.memory_space<vmem>> -> memref<1x1x128xi32, #tpu.memory_space<vmem>>
      %dma_start3A_104 = tpu.memref_squeeze %dma_start3A_103 : memref<1x1x128xi32, #tpu.memory_space<vmem>> -> memref<128xi32, #tpu.memory_space<vmem>>
      %dma_start3A_105 = arith.constant 0 : i32
      %dma_start3A_106 = arith.constant 0 : i32
      %dma_start3A_107 = tpu.memref_slice %arg13[%dma_start3A_105, %dma_start3A_106] : memref<10240x64xf32, #tpu.memory_space<vmem_shared>> -> memref<10240x64xf32, #tpu.memory_space<vmem_shared>>
      tpu.enqueue_indirect_dma source(%arg10 : memref<128x64xf32, #tpu.memory_space<vmem>>) target(%dma_start3A_107 : memref<10240x64xf32, #tpu.memory_space<vmem_shared>>) offsets(%dma_start3A_104 : memref<128xi32, #tpu.memory_space<vmem>>) semaphore(%arg20 : memref<!tpu.dma_semaphore, #tpu.memory_space<semaphore_mem>>) {add = true}
      %add3A_108 = arith.constant 3 : i32
      %add3A_109 = arith.addi %add3A_54, %add3A_108 : i32
      %dma_wait3A_110 = arith.constant 0 : i32
      %dma_wait3A_111 = arith.constant 0 : i32
      %dma_wait3A_112 = tpu.memref_slice %arg6[%add3A_109, %dma_wait3A_110, %dma_wait3A_111] : memref<80x1x128xi32, #tpu.memory_space<vmem>> -> memref<1x1x128xi32, #tpu.memory_space<vmem>>
      %dma_wait3A_113 = tpu.memref_squeeze %dma_wait3A_112 : memref<1x1x128xi32, #tpu.memory_space<vmem>> -> memref<128xi32, #tpu.memory_space<vmem>>
      %dma_wait3A_114 = arith.constant 0 : i32
      %dma_wait3A_115 = arith.constant 0 : i32
      %dma_wait3A_116 = tpu.memref_slice %arg4[%dma_wait3A_114, %dma_wait3A_115] : memref<10000x64xf32, #tpu.memory_space<hbm>> -> memref<10000x64xf32, #tpu.memory_space<hbm>>
      tpu.wait_indirect_dma semaphore(%arg17 : memref<!tpu.dma_semaphore, #tpu.memory_space<semaphore_mem>>) src(%dma_wait3A_116 : memref<10000x64xf32, #tpu.memory_space<hbm>>) dst(%arg11 : memref<128x64xf32, #tpu.memory_space<vmem>>)
      %add3A_117 = arith.constant 3 : i32
      %add3A_118 = arith.addi %add3A_54, %add3A_117 : i32
      %dma_start3A_119 = arith.constant 0 : i32
      %dma_start3A_120 = arith.constant 0 : i32
      %dma_start3A_121 = tpu.memref_slice %arg7[%add3A_118, %dma_start3A_119, %dma_start3A_120] : memref<80x1x128xi32, #tpu.memory_space<vmem>> -> memref<1x1x128xi32, #tpu.memory_space<vmem>>
      %dma_start3A_122 = tpu.memref_squeeze %dma_start3A_121 : memref<1x1x128xi32, #tpu.memory_space<vmem>> -> memref<128xi32, #tpu.memory_space<vmem>>
      %dma_start3A_123 = arith.constant 0 : i32
      %dma_start3A_124 = arith.constant 0 : i32
      %dma_start3A_125 = tpu.memref_slice %arg13[%dma_start3A_123, %dma_start3A_124] : memref<10240x64xf32, #tpu.memory_space<vmem_shared>> -> memref<10240x64xf32, #tpu.memory_space<vmem_shared>>
      tpu.enqueue_indirect_dma source(%arg11 : memref<128x64xf32, #tpu.memory_space<vmem>>) target(%dma_start3A_125 : memref<10240x64xf32, #tpu.memory_space<vmem_shared>>) offsets(%dma_start3A_122 : memref<128xi32, #tpu.memory_space<vmem>>) semaphore(%arg21 : memref<!tpu.dma_semaphore, #tpu.memory_space<semaphore_mem>>) {add = true}
      %add3A_126 = arith.constant 0 : i32
      %add3A_127 = arith.addi %add3A_54, %add3A_126 : i32
      %dma_wait3A_128 = arith.constant 0 : i32
      %dma_wait3A_129 = arith.constant 0 : i32
      %dma_wait3A_130 = tpu.memref_slice %arg7[%add3A_127, %dma_wait3A_128, %dma_wait3A_129] : memref<80x1x128xi32, #tpu.memory_space<vmem>> -> memref<1x1x128xi32, #tpu.memory_space<vmem>>
      %dma_wait3A_131 = tpu.memref_squeeze %dma_wait3A_130 : memref<1x1x128xi32, #tpu.memory_space<vmem>> -> memref<128xi32, #tpu.memory_space<vmem>>
      %dma_wait3A_132 = arith.constant 0 : i32
      %dma_wait3A_133 = arith.constant 0 : i32
      %dma_wait3A_134 = tpu.memref_slice %arg13[%dma_wait3A_132, %dma_wait3A_133] : memref<10240x64xf32, #tpu.memory_space<vmem_shared>> -> memref<10240x64xf32, #tpu.memory_space<vmem_shared>>
      tpu.wait_indirect_dma semaphore(%arg18 : memref<!tpu.dma_semaphore, #tpu.memory_space<semaphore_mem>>) src(%arg8 : memref<128x64xf32, #tpu.memory_space<vmem>>) dst(%dma_wait3A_134 : memref<10240x64xf32, #tpu.memory_space<vmem_shared>>)
      %add3A_135 = arith.constant 4 : i32
      %add3A_136 = arith.addi %add3A_54, %add3A_135 : i32
      %lt3A = arith.constant 80 : i32
      %lt3A_137 = arith.cmpi slt, %add3A_136, %lt3A : i32
      %convert_element_type3A = arith.extui %lt3A_137 : i1 to i32
      %cond3A = arith.constant 0 : i32
      %cond3A_138 = arith.cmpi ne, %convert_element_type3A, %cond3A : i32
      scf.if %cond3A_138 {
        %add3A_187 = arith.constant 4 : i32
        %add3A_188 = arith.addi %add3A_54, %add3A_187 : i32
        %add3A_189 = arith.constant 0 : i32
        %add3A_190 = arith.addi %add3A_188, %add3A_189 : i32
        %dma_start3A_191 = arith.constant 0 : i32
        %dma_start3A_192 = arith.constant 0 : i32
        %dma_start3A_193 = tpu.memref_slice %arg6[%add3A_190, %dma_start3A_191, %dma_start3A_192] : memref<80x1x128xi32, #tpu.memory_space<vmem>> -> memref<1x1x128xi32, #tpu.memory_space<vmem>>
        %dma_start3A_194 = tpu.memref_squeeze %dma_start3A_193 : memref<1x1x128xi32, #tpu.memory_space<vmem>> -> memref<128xi32, #tpu.memory_space<vmem>>
        %dma_start3A_195 = arith.constant 0 : i32
        %dma_start3A_196 = arith.constant 0 : i32
        %dma_start3A_197 = tpu.memref_slice %arg4[%dma_start3A_195, %dma_start3A_196] : memref<10000x64xf32, #tpu.memory_space<hbm>> -> memref<10000x64xf32, #tpu.memory_space<hbm>>
        tpu.enqueue_indirect_dma source(%dma_start3A_197 : memref<10000x64xf32, #tpu.memory_space<hbm>>) target(%arg8 : memref<128x64xf32, #tpu.memory_space<vmem>>) offsets(%dma_start3A_194 : memref<128xi32, #tpu.memory_space<vmem>>) semaphore(%arg14 : memref<!tpu.dma_semaphore, #tpu.memory_space<semaphore_mem>>)
      } else {
      }
      %add3A_139 = arith.constant 1 : i32
      %add3A_140 = arith.addi %add3A_54, %add3A_139 : i32
      %dma_wait3A_141 = arith.constant 0 : i32
      %dma_wait3A_142 = arith.constant 0 : i32
      %dma_wait3A_143 = tpu.memref_slice %arg7[%add3A_140, %dma_wait3A_141, %dma_wait3A_142] : memref<80x1x128xi32, #tpu.memory_space<vmem>> -> memref<1x1x128xi32, #tpu.memory_space<vmem>>
      %dma_wait3A_144 = tpu.memref_squeeze %dma_wait3A_143 : memref<1x1x128xi32, #tpu.memory_space<vmem>> -> memref<128xi32, #tpu.memory_space<vmem>>
      %dma_wait3A_145 = arith.constant 0 : i32
      %dma_wait3A_146 = arith.constant 0 : i32
      %dma_wait3A_147 = tpu.memref_slice %arg13[%dma_wait3A_145, %dma_wait3A_146] : memref<10240x64xf32, #tpu.memory_space<vmem_shared>> -> memref<10240x64xf32, #tpu.memory_space<vmem_shared>>
      tpu.wait_indirect_dma semaphore(%arg19 : memref<!tpu.dma_semaphore, #tpu.memory_space<semaphore_mem>>) src(%arg9 : memref<128x64xf32, #tpu.memory_space<vmem>>) dst(%dma_wait3A_147 : memref<10240x64xf32, #tpu.memory_space<vmem_shared>>)
      %add3A_148 = arith.constant 4 : i32
      %add3A_149 = arith.addi %add3A_54, %add3A_148 : i32
      %lt3A_150 = arith.constant 80 : i32
      %lt3A_151 = arith.cmpi slt, %add3A_149, %lt3A_150 : i32
      %convert_element_type3A_152 = arith.extui %lt3A_151 : i1 to i32
      %cond3A_153 = arith.constant 0 : i32
      %cond3A_154 = arith.cmpi ne, %convert_element_type3A_152, %cond3A_153 : i32
      scf.if %cond3A_154 {
        %add3A_187 = arith.constant 4 : i32
        %add3A_188 = arith.addi %add3A_54, %add3A_187 : i32
        %add3A_189 = arith.constant 1 : i32
        %add3A_190 = arith.addi %add3A_188, %add3A_189 : i32
        %dma_start3A_191 = arith.constant 0 : i32
        %dma_start3A_192 = arith.constant 0 : i32
        %dma_start3A_193 = tpu.memref_slice %arg6[%add3A_190, %dma_start3A_191, %dma_start3A_192] : memref<80x1x128xi32, #tpu.memory_space<vmem>> -> memref<1x1x128xi32, #tpu.memory_space<vmem>>
        %dma_start3A_194 = tpu.memref_squeeze %dma_start3A_193 : memref<1x1x128xi32, #tpu.memory_space<vmem>> -> memref<128xi32, #tpu.memory_space<vmem>>
        %dma_start3A_195 = arith.constant 0 : i32
        %dma_start3A_196 = arith.constant 0 : i32
        %dma_start3A_197 = tpu.memref_slice %arg4[%dma_start3A_195, %dma_start3A_196] : memref<10000x64xf32, #tpu.memory_space<hbm>> -> memref<10000x64xf32, #tpu.memory_space<hbm>>
        tpu.enqueue_indirect_dma source(%dma_start3A_197 : memref<10000x64xf32, #tpu.memory_space<hbm>>) target(%arg9 : memref<128x64xf32, #tpu.memory_space<vmem>>) offsets(%dma_start3A_194 : memref<128xi32, #tpu.memory_space<vmem>>) semaphore(%arg15 : memref<!tpu.dma_semaphore, #tpu.memory_space<semaphore_mem>>)
      } else {
      }
      %add3A_155 = arith.constant 2 : i32
      %add3A_156 = arith.addi %add3A_54, %add3A_155 : i32
      %dma_wait3A_157 = arith.constant 0 : i32
      %dma_wait3A_158 = arith.constant 0 : i32
      %dma_wait3A_159 = tpu.memref_slice %arg7[%add3A_156, %dma_wait3A_157, %dma_wait3A_158] : memref<80x1x128xi32, #tpu.memory_space<vmem>> -> memref<1x1x128xi32, #tpu.memory_space<vmem>>
      %dma_wait3A_160 = tpu.memref_squeeze %dma_wait3A_159 : memref<1x1x128xi32, #tpu.memory_space<vmem>> -> memref<128xi32, #tpu.memory_space<vmem>>
      %dma_wait3A_161 = arith.constant 0 : i32
      %dma_wait3A_162 = arith.constant 0 : i32
      %dma_wait3A_163 = tpu.memref_slice %arg13[%dma_wait3A_161, %dma_wait3A_162] : memref<10240x64xf32, #tpu.memory_space<vmem_shared>> -> memref<10240x64xf32, #tpu.memory_space<vmem_shared>>
      tpu.wait_indirect_dma semaphore(%arg20 : memref<!tpu.dma_semaphore, #tpu.memory_space<semaphore_mem>>) src(%arg10 : memref<128x64xf32, #tpu.memory_space<vmem>>) dst(%dma_wait3A_163 : memref<10240x64xf32, #tpu.memory_space<vmem_shared>>)
      %add3A_164 = arith.constant 4 : i32
      %add3A_165 = arith.addi %add3A_54, %add3A_164 : i32
      %lt3A_166 = arith.constant 80 : i32
      %lt3A_167 = arith.cmpi slt, %add3A_165, %lt3A_166 : i32
      %convert_element_type3A_168 = arith.extui %lt3A_167 : i1 to i32
      %cond3A_169 = arith.constant 0 : i32
      %cond3A_170 = arith.cmpi ne, %convert_element_type3A_168, %cond3A_169 : i32
      scf.if %cond3A_170 {
        %add3A_187 = arith.constant 4 : i32
        %add3A_188 = arith.addi %add3A_54, %add3A_187 : i32
        %add3A_189 = arith.constant 2 : i32
        %add3A_190 = arith.addi %add3A_188, %add3A_189 : i32
        %dma_start3A_191 = arith.constant 0 : i32
        %dma_start3A_192 = arith.constant 0 : i32
        %dma_start3A_193 = tpu.memref_slice %arg6[%add3A_190, %dma_start3A_191, %dma_start3A_192] : memref<80x1x128xi32, #tpu.memory_space<vmem>> -> memref<1x1x128xi32, #tpu.memory_space<vmem>>
        %dma_start3A_194 = tpu.memref_squeeze %dma_start3A_193 : memref<1x1x128xi32, #tpu.memory_space<vmem>> -> memref<128xi32, #tpu.memory_space<vmem>>
        %dma_start3A_195 = arith.constant 0 : i32
        %dma_start3A_196 = arith.constant 0 : i32
        %dma_start3A_197 = tpu.memref_slice %arg4[%dma_start3A_195, %dma_start3A_196] : memref<10000x64xf32, #tpu.memory_space<hbm>> -> memref<10000x64xf32, #tpu.memory_space<hbm>>
        tpu.enqueue_indirect_dma source(%dma_start3A_197 : memref<10000x64xf32, #tpu.memory_space<hbm>>) target(%arg10 : memref<128x64xf32, #tpu.memory_space<vmem>>) offsets(%dma_start3A_194 : memref<128xi32, #tpu.memory_space<vmem>>) semaphore(%arg16 : memref<!tpu.dma_semaphore, #tpu.memory_space<semaphore_mem>>)
      } else {
      }
      %add3A_171 = arith.constant 3 : i32
      %add3A_172 = arith.addi %add3A_54, %add3A_171 : i32
      %dma_wait3A_173 = arith.constant 0 : i32
      %dma_wait3A_174 = arith.constant 0 : i32
      %dma_wait3A_175 = tpu.memref_slice %arg7[%add3A_172, %dma_wait3A_173, %dma_wait3A_174] : memref<80x1x128xi32, #tpu.memory_space<vmem>> -> memref<1x1x128xi32, #tpu.memory_space<vmem>>
      %dma_wait3A_176 = tpu.memref_squeeze %dma_wait3A_175 : memref<1x1x128xi32, #tpu.memory_space<vmem>> -> memref<128xi32, #tpu.memory_space<vmem>>
      %dma_wait3A_177 = arith.constant 0 : i32
      %dma_wait3A_178 = arith.constant 0 : i32
      %dma_wait3A_179 = tpu.memref_slice %arg13[%dma_wait3A_177, %dma_wait3A_178] : memref<10240x64xf32, #tpu.memory_space<vmem_shared>> -> memref<10240x64xf32, #tpu.memory_space<vmem_shared>>
      tpu.wait_indirect_dma semaphore(%arg21 : memref<!tpu.dma_semaphore, #tpu.memory_space<semaphore_mem>>) src(%arg11 : memref<128x64xf32, #tpu.memory_space<vmem>>) dst(%dma_wait3A_179 : memref<10240x64xf32, #tpu.memory_space<vmem_shared>>)
      %add3A_180 = arith.constant 4 : i32
      %add3A_181 = arith.addi %add3A_54, %add3A_180 : i32
      %lt3A_182 = arith.constant 80 : i32
      %lt3A_183 = arith.cmpi slt, %add3A_181, %lt3A_182 : i32
      %convert_element_type3A_184 = arith.extui %lt3A_183 : i1 to i32
      %cond3A_185 = arith.constant 0 : i32
      %cond3A_186 = arith.cmpi ne, %convert_element_type3A_184, %cond3A_185 : i32
      scf.if %cond3A_186 {
        %add3A_187 = arith.constant 4 : i32
        %add3A_188 = arith.addi %add3A_54, %add3A_187 : i32
        %add3A_189 = arith.constant 3 : i32
        %add3A_190 = arith.addi %add3A_188, %add3A_189 : i32
        %dma_start3A_191 = arith.constant 0 : i32
        %dma_start3A_192 = arith.constant 0 : i32
        %dma_start3A_193 = tpu.memref_slice %arg6[%add3A_190, %dma_start3A_191, %dma_start3A_192] : memref<80x1x128xi32, #tpu.memory_space<vmem>> -> memref<1x1x128xi32, #tpu.memory_space<vmem>>
        %dma_start3A_194 = tpu.memref_squeeze %dma_start3A_193 : memref<1x1x128xi32, #tpu.memory_space<vmem>> -> memref<128xi32, #tpu.memory_space<vmem>>
        %dma_start3A_195 = arith.constant 0 : i32
        %dma_start3A_196 = arith.constant 0 : i32
        %dma_start3A_197 = tpu.memref_slice %arg4[%dma_start3A_195, %dma_start3A_196] : memref<10000x64xf32, #tpu.memory_space<hbm>> -> memref<10000x64xf32, #tpu.memory_space<hbm>>
        tpu.enqueue_indirect_dma source(%dma_start3A_197 : memref<10000x64xf32, #tpu.memory_space<hbm>>) target(%arg11 : memref<128x64xf32, #tpu.memory_space<vmem>>) offsets(%dma_start3A_194 : memref<128xi32, #tpu.memory_space<vmem>>) semaphore(%arg17 : memref<!tpu.dma_semaphore, #tpu.memory_space<semaphore_mem>>)
      } else {
      }
    }
    %scan3A_48 = arith.constant 20 : i32
    %barrier3A_49 = arith.constant 0 : index
    tpu.barrier barrier_id(%barrier3A_49)
    "tpu.region"() ({
      %run_scoped3A = tpu.sem_alloc : memref<!tpu.dma_semaphore, #tpu.memory_space<semaphore_mem>>
      %dma_start3A_50 = arith.constant 0 : i32
      %dma_start3A_51 = tpu.memref_slice %arg5[%arg0, %mul3A_7, %dma_start3A_50] : memref<2x10240x64xf32, #tpu.memory_space<hbm>> -> memref<1x640x64xf32, #tpu.memory_space<hbm>>
      %dma_start3A_52 = tpu.memref_squeeze %dma_start3A_51 : memref<1x640x64xf32, #tpu.memory_space<hbm>> -> memref<640x64xf32, #tpu.memory_space<hbm>>
      %dma_start3A_53 = arith.constant 0 : i32
      %dma_start3A_54 = tpu.memref_slice %arg13[%mul3A_7, %dma_start3A_53] : memref<10240x64xf32, #tpu.memory_space<vmem_shared>> -> memref<640x64xf32, #tpu.memory_space<vmem_shared>>
      tpu.enqueue_dma source(%dma_start3A_54 : memref<640x64xf32, #tpu.memory_space<vmem_shared>>) target(%dma_start3A_52 : memref<640x64xf32, #tpu.memory_space<hbm>>) target_semaphore(%run_scoped3A : memref<!tpu.dma_semaphore, #tpu.memory_space<semaphore_mem>>)
      %dma_wait3A = arith.constant 0 : i32
      %dma_wait3A_55 = tpu.memref_slice %arg5[%arg0, %mul3A_7, %dma_wait3A] : memref<2x10240x64xf32, #tpu.memory_space<hbm>> -> memref<1x640x64xf32, #tpu.memory_space<hbm>>
      %dma_wait3A_56 = tpu.memref_squeeze %dma_wait3A_55 : memref<1x640x64xf32, #tpu.memory_space<hbm>> -> memref<640x64xf32, #tpu.memory_space<hbm>>
      %dma_wait3A_57 = arith.constant 0 : i32
      %dma_wait3A_58 = tpu.memref_slice %arg13[%mul3A_7, %dma_wait3A_57] : memref<10240x64xf32, #tpu.memory_space<vmem_shared>> -> memref<640x64xf32, #tpu.memory_space<vmem_shared>>
      tpu.wait_dma2 semaphore(%run_scoped3A : memref<!tpu.dma_semaphore, #tpu.memory_space<semaphore_mem>>) src(%dma_wait3A_58 : memref<640x64xf32, #tpu.memory_space<vmem_shared>>) dst(%dma_wait3A_56 : memref<640x64xf32, #tpu.memory_space<hbm>>)
      tpu.yield
    }) : () -> ()
    return
  }
}

#map = affine_map<(d0, d1) -> (0)>
#map1 = affine_map<(d0, d1) -> (0, 0)>
module attributes {stable_mosaic.version = 14 : i64} {
  func.func @kern(%arg0: i32, %arg1: i32, %arg2: memref<327680xi32, #tpu.memory_space<hbm>>, %arg3: memref<2x10240xf32, #tpu.memory_space<hbm>>, %arg4: memref<10240xi32, #tpu.memory_space<vmem>>, %arg5: memref<10240xf32, #tpu.memory_space<vmem>>, %arg6: memref<640xf32, #tpu.memory_space<vmem>>, %arg7: memref<640xf32, #tpu.memory_space<vmem>>, %arg8: memref<16x10240xf32, #tpu.memory_space<vmem_shared>>) attributes {dimension_semantics = [#tpu.dimension_semantics<core_parallel>, #tpu.dimension_semantics<subcore_parallel>], iteration_bounds = array<i64: 2, 16>, scalar_prefetch = 0 : i64, scratch_operands = 5 : i64, tpu.core_type = #tpu.core_type<sc_vector_subcore>, window_params = [{transform_indices = #map}, {transform_indices = #map1}]} {
    %mul3A = arith.constant 16 : i32
    %mul3A_0 = arith.muli %arg0, %mul3A : i32
    %add3A = arith.addi %mul3A_0, %arg1 : i32
    %broadcast_in_dim3A = arith.constant 0.000000e+00 : f32
    %broadcast_in_dim3A_1 = vector.broadcast %broadcast_in_dim3A : f32 to vector<16xf32>
    %broadcast_in_dim3A_2 = arith.constant 1.000000e+00 : f32
    %broadcast_in_dim3A_3 = vector.broadcast %broadcast_in_dim3A_2 : f32 to vector<16xf32>
    %scan3A = arith.constant 0 : i32
    %scan3A_4 = arith.constant 640 : i32
    %scan3A_5 = arith.addi %scan3A, %scan3A_4 : i32
    %scan3A_6 = arith.constant 1 : i32
    scf.for %scan3A_22 = %scan3A to %scan3A_5 step %scan3A_6  : i32 {
      %mul3A_23 = arith.constant 16 : i32
      %mul3A_24 = arith.muli %scan3A_22, %mul3A_23 : i32
      %add3A_25 = arith.constant 0 : i32
      %add3A_26 = arith.addi %add3A_25, %mul3A_24 : i32
      %swap3A = arith.index_cast %add3A_26 : i32 to index
      %swap3A_27 = tpu.vector_load %arg5[%swap3A] {strides = array<i32>} : memref<10240xf32, #tpu.memory_space<vmem>>, vector<16xf32>,
      tpu.vector_store %arg5[%swap3A], %broadcast_in_dim3A_1 {strides = array<i32>} : memref<10240xf32, #tpu.memory_space<vmem>>, vector<16xf32>,
    }
    %scan3A_7 = arith.constant 640 : i32
    %mul3A_8 = arith.constant 10240 : i32
    %mul3A_9 = arith.muli %add3A, %mul3A_8 : i32
    "tpu.region"() ({
      %run_scoped3A_22 = tpu.sem_alloc : memref<!tpu.dma_semaphore, #tpu.memory_space<semaphore_mem>>
      %dma_start3A = tpu.memref_slice %arg2[%mul3A_9] : memref<327680xi32, #tpu.memory_space<hbm>> -> memref<10240xi32, #tpu.memory_space<hbm>>
      %dma_start3A_23 = tpu.memref_slice %arg2[%mul3A_9] : memref<327680xi32, #tpu.memory_space<hbm>> -> memref<10240xi32, #tpu.memory_space<hbm>>
      tpu.enqueue_dma source(%dma_start3A_23 : memref<10240xi32, #tpu.memory_space<hbm>>) target(%arg4 : memref<10240xi32, #tpu.memory_space<vmem>>) target_semaphore(%run_scoped3A_22 : memref<!tpu.dma_semaphore, #tpu.memory_space<semaphore_mem>>)
      %dma_wait3A = tpu.memref_slice %arg2[%mul3A_9] : memref<327680xi32, #tpu.memory_space<hbm>> -> memref<10240xi32, #tpu.memory_space<hbm>>
      %dma_wait3A_24 = tpu.memref_slice %arg2[%mul3A_9] : memref<327680xi32, #tpu.memory_space<hbm>> -> memref<10240xi32, #tpu.memory_space<hbm>>
      tpu.wait_dma2 semaphore(%run_scoped3A_22 : memref<!tpu.dma_semaphore, #tpu.memory_space<semaphore_mem>>) src(%dma_wait3A_24 : memref<10240xi32, #tpu.memory_space<hbm>>) dst(%arg4 : memref<10240xi32, #tpu.memory_space<vmem>>)
      tpu.yield
    }) : () -> ()
    %scan3A_10 = arith.constant 0 : i32
    %scan3A_11 = arith.constant 640 : i32
    %scan3A_12 = arith.addi %scan3A_10, %scan3A_11 : i32
    %scan3A_13 = arith.constant 1 : i32
    scf.for %scan3A_22 = %scan3A_10 to %scan3A_12 step %scan3A_13  : i32 {
      %mul3A_23 = arith.constant 16 : i32
      %mul3A_24 = arith.muli %scan3A_22, %mul3A_23 : i32
      %add3A_25 = arith.constant 0 : i32
      %add3A_26 = arith.addi %add3A_25, %mul3A_24 : i32
      %get3A = arith.index_cast %add3A_26 : i32 to index
      %get3A_27 = tpu.vector_load %arg4[%get3A] {strides = array<i32>} : memref<10240xi32, #tpu.memory_space<vmem>>, vector<16xi32>,
      tpu.vector_store_idx %arg5[%get3A_27], %broadcast_in_dim3A_3 {add = true} : memref<10240xf32, #tpu.memory_space<vmem>>[vector<16xi32>], vector<16xf32>,
    }
    %scan3A_14 = arith.constant 640 : i32
    "tpu.region"() ({
      %run_scoped3A_22 = tpu.sem_alloc : memref<!tpu.dma_semaphore, #tpu.memory_space<semaphore_mem>>
      %dma_start3A = arith.constant 0 : i32
      %dma_start3A_23 = tpu.memref_slice %arg8[%arg1, %dma_start3A] : memref<16x10240xf32, #tpu.memory_space<vmem_shared>> -> memref<1x10240xf32, #tpu.memory_space<vmem_shared>>
      %dma_start3A_24 = tpu.memref_squeeze %dma_start3A_23 : memref<1x10240xf32, #tpu.memory_space<vmem_shared>> -> memref<10240xf32, #tpu.memory_space<vmem_shared>>
      %dma_start3A_25 = arith.constant 0 : i32
      %dma_start3A_26 = tpu.memref_slice %arg8[%arg1, %dma_start3A_25] : memref<16x10240xf32, #tpu.memory_space<vmem_shared>> -> memref<1x10240xf32, #tpu.memory_space<vmem_shared>>
      %dma_start3A_27 = tpu.memref_squeeze %dma_start3A_26 : memref<1x10240xf32, #tpu.memory_space<vmem_shared>> -> memref<10240xf32, #tpu.memory_space<vmem_shared>>
      tpu.enqueue_dma source(%arg5 : memref<10240xf32, #tpu.memory_space<vmem>>) target(%dma_start3A_27 : memref<10240xf32, #tpu.memory_space<vmem_shared>>) target_semaphore(%run_scoped3A_22 : memref<!tpu.dma_semaphore, #tpu.memory_space<semaphore_mem>>)
      %dma_wait3A = arith.constant 0 : i32
      %dma_wait3A_28 = tpu.memref_slice %arg8[%arg1, %dma_wait3A] : memref<16x10240xf32, #tpu.memory_space<vmem_shared>> -> memref<1x10240xf32, #tpu.memory_space<vmem_shared>>
      %dma_wait3A_29 = tpu.memref_squeeze %dma_wait3A_28 : memref<1x10240xf32, #tpu.memory_space<vmem_shared>> -> memref<10240xf32, #tpu.memory_space<vmem_shared>>
      %dma_wait3A_30 = arith.constant 0 : i32
      %dma_wait3A_31 = tpu.memref_slice %arg8[%arg1, %dma_wait3A_30] : memref<16x10240xf32, #tpu.memory_space<vmem_shared>> -> memref<1x10240xf32, #tpu.memory_space<vmem_shared>>
      %dma_wait3A_32 = tpu.memref_squeeze %dma_wait3A_31 : memref<1x10240xf32, #tpu.memory_space<vmem_shared>> -> memref<10240xf32, #tpu.memory_space<vmem_shared>>
      tpu.wait_dma2 semaphore(%run_scoped3A_22 : memref<!tpu.dma_semaphore, #tpu.memory_space<semaphore_mem>>) src(%arg5 : memref<10240xf32, #tpu.memory_space<vmem>>) dst(%dma_wait3A_32 : memref<10240xf32, #tpu.memory_space<vmem_shared>>)
      tpu.yield
    }) : () -> ()
    %barrier3A = arith.constant 0 : index
    tpu.barrier barrier_id(%barrier3A)
    %mul3A_15 = arith.constant 640 : i32
    %mul3A_16 = arith.muli %arg1, %mul3A_15 : i32
    %run_scoped3A = arith.constant 0 : i32
    "tpu.region"() ({
      %run_scoped3A_22 = tpu.sem_alloc : memref<!tpu.dma_semaphore, #tpu.memory_space<semaphore_mem>>
      %dma_start3A = tpu.memref_slice %arg8[%run_scoped3A, %mul3A_16] : memref<16x10240xf32, #tpu.memory_space<vmem_shared>> -> memref<1x640xf32, #tpu.memory_space<vmem_shared>>
      %dma_start3A_23 = tpu.memref_squeeze %dma_start3A : memref<1x640xf32, #tpu.memory_space<vmem_shared>> -> memref<640xf32, #tpu.memory_space<vmem_shared>>
      %dma_start3A_24 = tpu.memref_slice %arg8[%run_scoped3A, %mul3A_16] : memref<16x10240xf32, #tpu.memory_space<vmem_shared>> -> memref<1x640xf32, #tpu.memory_space<vmem_shared>>
      %dma_start3A_25 = tpu.memref_squeeze %dma_start3A_24 : memref<1x640xf32, #tpu.memory_space<vmem_shared>> -> memref<640xf32, #tpu.memory_space<vmem_shared>>
      tpu.enqueue_dma source(%dma_start3A_25 : memref<640xf32, #tpu.memory_space<vmem_shared>>) target(%arg6 : memref<640xf32, #tpu.memory_space<vmem>>) target_semaphore(%run_scoped3A_22 : memref<!tpu.dma_semaphore, #tpu.memory_space<semaphore_mem>>)
      %dma_wait3A = tpu.memref_slice %arg8[%run_scoped3A, %mul3A_16] : memref<16x10240xf32, #tpu.memory_space<vmem_shared>> -> memref<1x640xf32, #tpu.memory_space<vmem_shared>>
      %dma_wait3A_26 = tpu.memref_squeeze %dma_wait3A : memref<1x640xf32, #tpu.memory_space<vmem_shared>> -> memref<640xf32, #tpu.memory_space<vmem_shared>>
      %dma_wait3A_27 = tpu.memref_slice %arg8[%run_scoped3A, %mul3A_16] : memref<16x10240xf32, #tpu.memory_space<vmem_shared>> -> memref<1x640xf32, #tpu.memory_space<vmem_shared>>
      %dma_wait3A_28 = tpu.memref_squeeze %dma_wait3A_27 : memref<1x640xf32, #tpu.memory_space<vmem_shared>> -> memref<640xf32, #tpu.memory_space<vmem_shared>>
      tpu.wait_dma2 semaphore(%run_scoped3A_22 : memref<!tpu.dma_semaphore, #tpu.memory_space<semaphore_mem>>) src(%dma_wait3A_28 : memref<640xf32, #tpu.memory_space<vmem_shared>>) dst(%arg6 : memref<640xf32, #tpu.memory_space<vmem>>)
      tpu.yield
    }) : () -> ()
    %scan3A_17 = arith.constant 0 : i32
    %scan3A_18 = arith.constant 15 : i32
    %scan3A_19 = arith.addi %scan3A_17, %scan3A_18 : i32
    %scan3A_20 = arith.constant 1 : i32
    scf.for %scan3A_22 = %scan3A_17 to %scan3A_19 step %scan3A_20  : i32 {
      %mul3A_23 = arith.constant 1 : i32
      %mul3A_24 = arith.muli %scan3A_22, %mul3A_23 : i32
      %add3A_25 = arith.constant 1 : i32
      %add3A_26 = arith.addi %add3A_25, %mul3A_24 : i32
      "tpu.region"() ({
        %run_scoped3A_32 = tpu.sem_alloc : memref<!tpu.dma_semaphore, #tpu.memory_space<semaphore_mem>>
        %dma_start3A = tpu.memref_slice %arg8[%add3A_26, %mul3A_16] : memref<16x10240xf32, #tpu.memory_space<vmem_shared>> -> memref<1x640xf32, #tpu.memory_space<vmem_shared>>
        %dma_start3A_33 = tpu.memref_squeeze %dma_start3A : memref<1x640xf32, #tpu.memory_space<vmem_shared>> -> memref<640xf32, #tpu.memory_space<vmem_shared>>
        %dma_start3A_34 = tpu.memref_slice %arg8[%add3A_26, %mul3A_16] : memref<16x10240xf32, #tpu.memory_space<vmem_shared>> -> memref<1x640xf32, #tpu.memory_space<vmem_shared>>
        %dma_start3A_35 = tpu.memref_squeeze %dma_start3A_34 : memref<1x640xf32, #tpu.memory_space<vmem_shared>> -> memref<640xf32, #tpu.memory_space<vmem_shared>>
        tpu.enqueue_dma source(%dma_start3A_35 : memref<640xf32, #tpu.memory_space<vmem_shared>>) target(%arg7 : memref<640xf32, #tpu.memory_space<vmem>>) target_semaphore(%run_scoped3A_32 : memref<!tpu.dma_semaphore, #tpu.memory_space<semaphore_mem>>)
        %dma_wait3A = tpu.memref_slice %arg8[%add3A_26, %mul3A_16] : memref<16x10240xf32, #tpu.memory_space<vmem_shared>> -> memref<1x640xf32, #tpu.memory_space<vmem_shared>>
        %dma_wait3A_36 = tpu.memref_squeeze %dma_wait3A : memref<1x640xf32, #tpu.memory_space<vmem_shared>> -> memref<640xf32, #tpu.memory_space<vmem_shared>>
        %dma_wait3A_37 = tpu.memref_slice %arg8[%add3A_26, %mul3A_16] : memref<16x10240xf32, #tpu.memory_space<vmem_shared>> -> memref<1x640xf32, #tpu.memory_space<vmem_shared>>
        %dma_wait3A_38 = tpu.memref_squeeze %dma_wait3A_37 : memref<1x640xf32, #tpu.memory_space<vmem_shared>> -> memref<640xf32, #tpu.memory_space<vmem_shared>>
        tpu.wait_dma2 semaphore(%run_scoped3A_32 : memref<!tpu.dma_semaphore, #tpu.memory_space<semaphore_mem>>) src(%dma_wait3A_38 : memref<640xf32, #tpu.memory_space<vmem_shared>>) dst(%arg7 : memref<640xf32, #tpu.memory_space<vmem>>)
        tpu.yield
      }) : () -> ()
      %scan3A_27 = arith.constant 0 : i32
      %scan3A_28 = arith.constant 40 : i32
      %scan3A_29 = arith.addi %scan3A_27, %scan3A_28 : i32
      %scan3A_30 = arith.constant 1 : i32
      scf.for %scan3A_32 = %scan3A_27 to %scan3A_29 step %scan3A_30  : i32 {
        %mul3A_33 = arith.constant 16 : i32
        %mul3A_34 = arith.muli %scan3A_32, %mul3A_33 : i32
        %add3A_35 = arith.constant 0 : i32
        %add3A_36 = arith.addi %add3A_35, %mul3A_34 : i32
        %get3A = arith.index_cast %add3A_36 : i32 to index
        %get3A_37 = tpu.vector_load %arg6[%get3A] {strides = array<i32>} : memref<640xf32, #tpu.memory_space<vmem>>, vector<16xf32>,
        %get3A_38 = arith.index_cast %add3A_36 : i32 to index
        %get3A_39 = tpu.vector_load %arg7[%get3A_38] {strides = array<i32>} : memref<640xf32, #tpu.memory_space<vmem>>, vector<16xf32>,
        %add3A_40 = arith.addf %get3A_37, %get3A_39 : vector<16xf32>
        %swap3A = arith.index_cast %add3A_36 : i32 to index
        %swap3A_41 = tpu.vector_load %arg6[%swap3A] {strides = array<i32>} : memref<640xf32, #tpu.memory_space<vmem>>, vector<16xf32>,
        tpu.vector_store %arg6[%swap3A], %add3A_40 {strides = array<i32>} : memref<640xf32, #tpu.memory_space<vmem>>, vector<16xf32>,
      }
      %scan3A_31 = arith.constant 40 : i32
    }
    %scan3A_21 = arith.constant 15 : i32
    "tpu.region"() ({
      %run_scoped3A_22 = tpu.sem_alloc : memref<!tpu.dma_semaphore, #tpu.memory_space<semaphore_mem>>
      %dma_start3A = tpu.memref_slice %arg3[%arg0, %mul3A_16] : memref<2x10240xf32, #tpu.memory_space<hbm>> -> memref<1x640xf32, #tpu.memory_space<hbm>>
      %dma_start3A_23 = tpu.memref_squeeze %dma_start3A : memref<1x640xf32, #tpu.memory_space<hbm>> -> memref<640xf32, #tpu.memory_space<hbm>>
      %dma_start3A_24 = tpu.memref_slice %arg3[%arg0, %mul3A_16] : memref<2x10240xf32, #tpu.memory_space<hbm>> -> memref<1x640xf32, #tpu.memory_space<hbm>>
      %dma_start3A_25 = tpu.memref_squeeze %dma_start3A_24 : memref<1x640xf32, #tpu.memory_space<hbm>> -> memref<640xf32, #tpu.memory_space<hbm>>
      tpu.enqueue_dma source(%arg6 : memref<640xf32, #tpu.memory_space<vmem>>) target(%dma_start3A_25 : memref<640xf32, #tpu.memory_space<hbm>>) target_semaphore(%run_scoped3A_22 : memref<!tpu.dma_semaphore, #tpu.memory_space<semaphore_mem>>)
      %dma_wait3A = tpu.memref_slice %arg3[%arg0, %mul3A_16] : memref<2x10240xf32, #tpu.memory_space<hbm>> -> memref<1x640xf32, #tpu.memory_space<hbm>>
      %dma_wait3A_26 = tpu.memref_squeeze %dma_wait3A : memref<1x640xf32, #tpu.memory_space<hbm>> -> memref<640xf32, #tpu.memory_space<hbm>>
      %dma_wait3A_27 = tpu.memref_slice %arg3[%arg0, %mul3A_16] : memref<2x10240xf32, #tpu.memory_space<hbm>> -> memref<1x640xf32, #tpu.memory_space<hbm>>
      %dma_wait3A_28 = tpu.memref_squeeze %dma_wait3A_27 : memref<1x640xf32, #tpu.memory_space<hbm>> -> memref<640xf32, #tpu.memory_space<hbm>>
      tpu.wait_dma2 semaphore(%run_scoped3A_22 : memref<!tpu.dma_semaphore, #tpu.memory_space<semaphore_mem>>) src(%arg6 : memref<640xf32, #tpu.memory_space<vmem>>) dst(%dma_wait3A_28 : memref<640xf32, #tpu.memory_space<hbm>>)
      tpu.yield
    }) : () -> ()
    return
  }
}

module attributes {stable_mosaic.version = 14 : i64} {
  func.func @body(%arg0: memref<10000x128xf32, #tpu.memory_space<vmem>>, %arg1: memref<128x64xf32, #tpu.memory_space<vmem>>, %arg2: memref<10000x64xf32, #tpu.memory_space<vmem>>) attributes {dimension_semantics = [], scalar_prefetch = 0 : i64, scratch_operands = 0 : i64, tpu.core_type = #tpu.core_type<tc>} {
    %get3A = arith.constant 0 : index
    %get3A_0 = arith.constant 0 : index
    %get3A_1 = vector.load %arg0[%get3A, %get3A_0] : memref<10000x128xf32, #tpu.memory_space<vmem>>, vector<10000x128xf32>
    %get3A_2 = arith.constant 0 : index
    %get3A_3 = arith.constant 0 : index
    %get3A_4 = vector.load %arg1[%get3A_2, %get3A_3] : memref<128x64xf32, #tpu.memory_space<vmem>>, vector<128x64xf32>
    %dot_general3A = arith.constant dense<0.000000e+00> : vector<10000x64xf32>
    %dot_general3A_5 = tpu.matmul %get3A_1, %get3A_4, %dot_general3A {dimension_numbers = #tpu.dot_dimension_numbers<[1], [0], [0], [1], [0, 0, 1, 1], [], []>, transpose_lhs_hint = false} : vector<10000x128xf32>, vector<128x64xf32>, vector<10000x64xf32> -> vector<10000x64xf32>
    %swap3A = arith.constant 0 : index
    %swap3A_6 = arith.constant 0 : index
    %swap3A_7 = vector.load %arg2[%swap3A, %swap3A_6] : memref<10000x64xf32, #tpu.memory_space<vmem>>, vector<10000x64xf32>
    tpu.vector_store %arg2[%swap3A, %swap3A_6], %dot_general3A_5 {strides = array<i32>} : memref<10000x64xf32, #tpu.memory_space<vmem>>, vector<10000x64xf32>,
    return
  }
}

module attributes {stable_mosaic.version = 14 : i64} {
  func.func @body(%arg0: memref<10000x64xf32, #tpu.memory_space<vmem>>, %arg1: memref<10000x2xf32, #tpu.memory_space<vmem>>, %arg2: memref<10000x64xf32, #tpu.memory_space<vmem>>, %arg3: memref<10000x1xf32, #tpu.memory_space<vmem>>) attributes {dimension_semantics = [], scalar_prefetch = 0 : i64, scratch_operands = 0 : i64, tpu.core_type = #tpu.core_type<tc>} {
    %get3A = arith.constant 0 : index
    %get3A_0 = arith.constant 0 : index
    %get3A_1 = vector.load %arg1[%get3A, %get3A_0] : memref<10000x2xf32, #tpu.memory_space<vmem>>, vector<10000x1xf32>
    %get3A_2 = arith.constant 0 : index
    %get3A_3 = arith.constant 1 : index
    %get3A_4 = vector.load %arg1[%get3A_2, %get3A_3] : memref<10000x2xf32, #tpu.memory_space<vmem>>, vector<10000x1xf32>
    %add3A = arith.addf %get3A_1, %get3A_4 : vector<10000x1xf32>
    %add3A_5 = arith.constant 1.000000e+00 : f32
    %add3A_6 = vector.broadcast %add3A_5 : f32 to vector<10000x1xf32>
    %add3A_7 = arith.addf %add3A, %add3A_6 : vector<10000x1xf32>
    %rsqrt3A = math.rsqrt %add3A_7 : vector<10000x1xf32>
    %get3A_8 = arith.constant 0 : index
    %get3A_9 = arith.constant 0 : index
    %get3A_10 = vector.load %arg0[%get3A_8, %get3A_9] : memref<10000x64xf32, #tpu.memory_space<vmem>>, vector<10000x64xf32>
    %mul3A = vector.broadcast %rsqrt3A : vector<10000x1xf32> to vector<10000x64xf32>
    %mul3A_11 = arith.mulf %mul3A, %get3A_10 : vector<10000x64xf32>
    %swap3A = arith.constant 0 : index
    %swap3A_12 = arith.constant 0 : index
    %swap3A_13 = vector.load %arg2[%swap3A, %swap3A_12] : memref<10000x64xf32, #tpu.memory_space<vmem>>, vector<10000x64xf32>
    tpu.vector_store %arg2[%swap3A, %swap3A_12], %mul3A_11 {strides = array<i32>} : memref<10000x64xf32, #tpu.memory_space<vmem>>, vector<10000x64xf32>,
    %div3A = arith.divf %rsqrt3A, %add3A_7 : vector<10000x1xf32>
    %swap3A_14 = arith.constant 0 : index
    %swap3A_15 = arith.constant 0 : index
    %swap3A_16 = vector.load %arg3[%swap3A_14, %swap3A_15] : memref<10000x1xf32, #tpu.memory_space<vmem>>, vector<10000x1xf32>
    tpu.vector_store %arg3[%swap3A_14, %swap3A_15], %div3A {strides = array<i32>} : memref<10000x1xf32, #tpu.memory_space<vmem>>, vector<10000x1xf32>,
    return
  }
}

module attributes {stable_mosaic.version = 14 : i64} {
  func.func @body(%arg0: memref<2x10240x64xf32, #tpu.memory_space<vmem>>, %arg1: memref<10000x64xf32, #tpu.memory_space<vmem>>, %arg2: memref<10000x1xf32, #tpu.memory_space<vmem>>, %arg3: memref<1x64xf32, #tpu.memory_space<vmem>>, %arg4: memref<10000x64xf32, #tpu.memory_space<vmem>>) attributes {dimension_semantics = [], scalar_prefetch = 0 : i64, scratch_operands = 0 : i64, tpu.core_type = #tpu.core_type<tc>} {
    %get3A = arith.constant 0 : index
    %get3A_0 = arith.constant 0 : index
    %get3A_1 = arith.constant 0 : index
    %get3A_2 = vector.load %arg0[%get3A, %get3A_0, %get3A_1] : memref<2x10240x64xf32, #tpu.memory_space<vmem>>, vector<1x10000x64xf32>
    %get3A_3 = vector.shape_cast %get3A_2 : vector<1x10000x64xf32> to vector<10000x64xf32>
    %get3A_4 = arith.constant 1 : index
    %get3A_5 = arith.constant 0 : index
    %get3A_6 = arith.constant 0 : index
    %get3A_7 = vector.load %arg0[%get3A_4, %get3A_5, %get3A_6] : memref<2x10240x64xf32, #tpu.memory_space<vmem>>, vector<1x10000x64xf32>
    %get3A_8 = vector.shape_cast %get3A_7 : vector<1x10000x64xf32> to vector<10000x64xf32>
    %add3A = arith.addf %get3A_3, %get3A_8 : vector<10000x64xf32>
    %get3A_9 = arith.constant 0 : index
    %get3A_10 = arith.constant 0 : index
    %get3A_11 = vector.load %arg1[%get3A_9, %get3A_10] : memref<10000x64xf32, #tpu.memory_space<vmem>>, vector<10000x64xf32>
    %add3A_12 = arith.addf %add3A, %get3A_11 : vector<10000x64xf32>
    %get3A_13 = arith.constant 0 : index
    %get3A_14 = arith.constant 0 : index
    %get3A_15 = vector.load %arg2[%get3A_13, %get3A_14] : memref<10000x1xf32, #tpu.memory_space<vmem>>, vector<10000x1xf32>
    %mul3A = vector.broadcast %get3A_15 : vector<10000x1xf32> to vector<10000x64xf32>
    %mul3A_16 = arith.mulf %mul3A, %add3A_12 : vector<10000x64xf32>
    %get3A_17 = arith.constant 0 : index
    %get3A_18 = arith.constant 0 : index
    %get3A_19 = vector.load %arg3[%get3A_17, %get3A_18] : memref<1x64xf32, #tpu.memory_space<vmem>>, vector<1x64xf32>
    %add3A_20 = vector.broadcast %get3A_19 : vector<1x64xf32> to vector<10000x64xf32>
    %add3A_21 = arith.addf %mul3A_16, %add3A_20 : vector<10000x64xf32>
    %reduce_max3A = arith.constant dense<0xFF800000> : vector<10000xf32>
    %reduce_max3A_22 = vector.multi_reduction <maximumf>, %add3A_21, %reduce_max3A [1] : vector<10000x64xf32> to vector<10000xf32>
    %broadcast_in_dim3A = vector.shape_cast %reduce_max3A_22 : vector<10000xf32> to vector<10000x1xf32>
    %sub3A = vector.broadcast %broadcast_in_dim3A : vector<10000x1xf32> to vector<10000x64xf32>
    %sub3A_23 = arith.subf %add3A_21, %sub3A : vector<10000x64xf32>
    %exp3A = math.exp %sub3A_23 : vector<10000x64xf32>
    %reduce_sum3A = arith.constant dense<0.000000e+00> : vector<10000xf32>
    %reduce_sum3A_24 = vector.multi_reduction <add>, %exp3A, %reduce_sum3A [1] : vector<10000x64xf32> to vector<10000xf32>
    %broadcast_in_dim3A_25 = vector.shape_cast %reduce_sum3A_24 : vector<10000xf32> to vector<10000x1xf32>
    %log3A = math.log %broadcast_in_dim3A_25 : vector<10000x1xf32>
    %sub3A_26 = vector.broadcast %log3A : vector<10000x1xf32> to vector<10000x64xf32>
    %sub3A_27 = arith.subf %sub3A_23, %sub3A_26 : vector<10000x64xf32>
    %swap3A = arith.constant 0 : index
    %swap3A_28 = arith.constant 0 : index
    %swap3A_29 = vector.load %arg4[%swap3A, %swap3A_28] : memref<10000x64xf32, #tpu.memory_space<vmem>>, vector<10000x64xf32>
    tpu.vector_store %arg4[%swap3A, %swap3A_28], %sub3A_27 {strides = array<i32>} : memref<10000x64xf32, #tpu.memory_space<vmem>>, vector<10000x64xf32>,
    return
  }
}

</mosaic_0001>

<sc_bundles>
// kernel: kernel.10.cloned.1.call-start
scs
__scs_entry_jumppad:
0x0: {  	(pc) =	sbr.rel $0x88, $3  }
0x1: {  	(tag) =	ssettag $0x0;
	lr =	simm.s32 $0x1  }
0x2: {  	[smem:$0x3F9D] =	sst lr;
	_ =	strace $0xD0000000  }
0x3: {  	_ = 	snop  }
0x4: {  	_ = 	snop  }
0x5: {  	_ = 	snop  }
0x6: {  	_ = 	snop  }
0x7: {  	_ = 	snop  }
__scs_overlays_trampoline_lowered:
0x8: {  	[smem:$0x3FAC] =	sst s0  }
0x9: {  	[smem:$0x3FAD] =	sst s1  }
0xa: {  	[smem:$0x3FAE] =	sst s2  }
0xb: {  	[smem:$0x3FAF] =	sst s3  }
0xc: {  	[smem:$0x3FB0] =	sst s4  }
0xd: {  	[smem:$0x3FB1] =	sst s5  }
0xe: {  	[smem:$0x3FB2] =	sst s6  }
0xf: {  	[smem:$0x3FB3] =	sst s7  }
0x10: {  	[smem:$0x3FB4] =	sst s8  }
0x11: {  	[smem:$0x3FB5] =	sst s9;
	s0 =	simm.s32 @!p0 $0x0  }
0x12: {  	s1 =	sld [smem:$0x3F9B];
	s0 =	simm.s32 @p0 $0x1  }
0x13: {  	[smem:$0x3FB6] =	sst s0;
	s0 =	simm.s32 @!p1 $0x0  }
0x14: {  	s2 =	sld [smem:$0x3F9A];
	s0 =	simm.s32 @p1 $0x1  }
0x15: {  	[smem:$0x3FB7] =	sst s0;
	s0 =	simm.s32 @!p2 $0x0  }
0x16: {  	s3 =	sld [smem:$0x3FDB];
	s0 =	simm.s32 @p2 $0x1  }
0x17: {  	s4 =	simm.s32 $0x1BF5;
	[smem:$0x3FB9] =	sst s0  }
0x18: {  	s0 =	sld [smem:$0x3F9C];
	_ =	swait.ge [sflag:s4], $0x0  }
0x19: {  	s7 =	sld [smem:$0x3F9D]  }
0x1a: {  	s8 =	sadd.s32 $0xFFFFE003, lr  }
0x1b: {  	s9 =	sadd.s32 $0xFFFFFEF7, lr;
	s5 =	simm.s32 $0xFFFFFFFF;
	p2 =	slt.u32 s8, $0xFFFFF086  }
0x1c: {  	p1 =	slt.u32 s9, $0xF7A;
	s5 =	simm.s32 @!p2 $0x0  }
0x1d: {  	s5 =	simm.s32 @p1 $0x1;
	p0 =	seq.s32 s7, s2  }
0x1e: {  	s7 =	smul.u32 @!p0 $0xF7A, s2;
	p2 =	seq.s32 @!p0 s5, $0x0  }
0x1f: {  	s9 =	smul.u32 $0xF7A, s1;
	s8 =	simm.s32 @!p0 $0x1BF5;
	p2 =	por !p2, p0  }
0x20: {  	[sflag:s8] =	ssyncset.s32 @!p0 $0xFFFFF086;
	s6 =	sadd.s32 @!p0 s3, s7;
	s7 =	simm.s32 @!p0 $0x108  }
0x21: {  	s3 =	sadd.s32 s3, s9;
	s6 =	sadd.s32 @!p0 $0x88, s6;
	s7 =	simm.s32 @p2 $0x1082  }
0x22: {  	[simem:s7], [sflag:s8] =	dma.local @!p0 [hbm:s6], $0xF7A  }
0x23: {  	s9 =	sor.u32 $0xD0000000, s2;
	s6 =	simm.s32 $0x108;
	_ =	swait.ge @!p0 [sflag:s8], $0x0  }
0x24: {  	s3 =	sadd.s32 $0x88, s3;
	s6 =	simm.s32 @!p1 $0x1082;
	[sflag:s4] =	ssyncset.s32 $0xFFFFF086  }
0x25: {  	[simem:s6], [sflag:s4] =	dma.local [hbm:s3], $0xF7A  }
0x26: {  	[smem:$0x3F9D] =	sst s1;
	(tag) =	ssettag s2;
	_ =	strace s9  }
0x27: {  	s1 =	sld [smem:$0x3FAD]  }
0x28: {  	s2 =	sld [smem:$0x3FAE]  }
0x29: {  	s4 =	sld [smem:$0x3FB0]  }
0x2a: {  	p0 =	seq.s32 s5, $0x0;
	s5 =	sld [smem:$0x3FB1]  }
0x2b: {  	s6 =	sld [smem:$0x3FB2]  }
0x2c: {  	s7 =	sld [smem:$0x3FB3]  }
0x2d: {  	s3 =	simm.s32 $0x108;
	s8 =	sld [smem:$0x3FB4]  }
0x2e: {  	s3 =	simm.s32 @!p0 $0x1082;
	s9 =	sld [smem:$0x3FB5]  }
0x2f: {  	lr =	sadd.s32 s0, s3;
	s0 =	sld [smem:$0x3FAC]  }
0x30: {  	s3 =	sld [smem:$0x3FAF]  }
0x31: {  	[smem:$0x3FB8] =	sst s10  }
0x32: {  	s10 =	sld [smem:$0x3FB6];
	_ =	sdelay $0x3  }
0x33: {  	p0 =	seq.s32 s10, $0x1;
	s10 =	sld [smem:$0x3FB8];
	_ =	sdelay $0x3  }
0x34: {  	[smem:$0x3FB8] =	sst s10  }
0x35: {  	s10 =	sld [smem:$0x3FB7];
	_ =	sdelay $0x3  }
0x36: {  	p1 =	seq.s32 s10, $0x1;
	s10 =	sld [smem:$0x3FB8];
	_ =	sdelay $0x3  }
0x37: {  	[smem:$0x3FB8] =	sst s10  }
0x38: {  	s10 =	sld [smem:$0x3FB9]  }
0x39: {  	_ = 	snop;
	(pc) =	sbr.ind lr, $3  }
0x3a: {  	_ = 	snop  }
0x3b: {  	_ = 	snop  }
0x3c: {  	p2 =	seq.s32 s10, $0x1;
	s10 =	sld [smem:$0x3FB8]  }
0x3d: {  	_ =	shalt  }
0x3e: {  	_ =	shalt  }
0x3f: {  	_ =	shalt  }
0x40: {  	_ =	shalt  }
0x41: {  	_ =	shalt  }
0x42: {  	_ =	shalt  }
0x43: {  	_ =	shalt  }
0x44: {  	_ =	shalt  }
0x45: {  	_ =	shalt  }
0x46: {  	_ =	shalt  }
0x47: {  	_ =	shalt  }
0x48: {  	_ =	shalt  }
0x49: {  	_ =	shalt  }
0x4a: {  	_ =	shalt  }
0x4b: {  	_ =	shalt  }
0x4c: {  	_ =	shalt  }
0x4d: {  	_ =	shalt  }
0x4e: {  	_ =	shalt  }
0x4f: {  	_ =	shalt  }
0x50: {  	_ =	shalt  }
0x51: {  	_ =	shalt  }
0x52: {  	_ =	shalt  }
0x53: {  	_ =	shalt  }
0x54: {  	_ =	shalt  }
0x55: {  	_ =	shalt  }
0x56: {  	_ =	shalt  }
0x57: {  	_ =	shalt  }
0x58: {  	_ =	shalt  }
0x59: {  	_ =	shalt  }
0x5a: {  	_ =	shalt  }
0x5b: {  	_ =	shalt  }
0x5c: {  	_ =	shalt  }
0x5d: {  	_ =	shalt  }
0x5e: {  	_ =	shalt  }
0x5f: {  	_ =	shalt  }
0x60: {  	_ =	shalt  }
0x61: {  	_ =	shalt  }
0x62: {  	_ =	shalt  }
0x63: {  	_ =	shalt  }
0x64: {  	_ =	shalt  }
0x65: {  	_ =	shalt  }
0x66: {  	_ =	shalt  }
0x67: {  	_ =	shalt  }
0x68: {  	_ =	shalt  }
0x69: {  	_ =	shalt  }
0x6a: {  	_ =	shalt  }
0x6b: {  	_ =	shalt  }
0x6c: {  	_ =	shalt  }
0x6d: {  	_ =	shalt  }
0x6e: {  	_ =	shalt  }
0x6f: {  	_ =	shalt  }
0x70: {  	_ =	shalt  }
0x71: {  	_ =	shalt  }
0x72: {  	_ =	shalt  }
0x73: {  	_ =	shalt  }
0x74: {  	_ =	shalt  }
0x75: {  	_ =	shalt  }
0x76: {  	_ =	shalt  }
0x77: {  	_ =	shalt  }
0x78: {  	_ =	shalt  }
0x79: {  	_ =	shalt  }
0x7a: {  	_ =	shalt  }
0x7b: {  	_ =	shalt  }
0x7c: {  	_ =	shalt  }
0x7d: {  	_ =	shalt  }
0x7e: {  	_ =	shalt  }
0x7f: {  	_ =	shalt  }
0x80: {  	_ =	shalt  }
0x81: {  	_ =	shalt  }
0x82: {  	_ =	shalt  }
0x83: {  	_ =	shalt  }
0x84: {  	_ =	shalt  }
0x85: {  	_ =	shalt  }
0x86: {  	_ =	shalt  }
0x87: {  	_ =	shalt  }
.Lfunc_end0:
.L_simem_size_0:
called_computation.1_lowered:
.L_overlay_start_0:
0x88: {  	s2 =	sld [smem:$0x3FD9]  }
0x89: {  	s3 =	sld [smem:$0x3FFE];
	_ =	sdelay $0x1  }
0x8a: {  	s1 =	srdreg.scid  }
0x8b: {  	s0 =	sand.u32 $0x1, s1  }
0x8c: {  	s17 =	sshll.u32 s0, $0xA;
	s2 =	sadd.s32 s3, s2  }
0x8d: {  	s2 =	sadd.s32 s2, s17  }
0x8e: {  	[smem:$0x3FC4] =	sst s2  }
0x8f: {  	_ = 	snop  }
0x90: {  	s2 =	sld [smem:$0x3FD0];
	(tm) =	ssettm $0x1  }
0x91: {  	s18 =	sld [smem:$0x3FFB];
	_ =	sdelay $0x3  }
0x92: {  	_ =	strace s18  }
0x93: {  	s3 =	sld [smem:$0x3FFC];
	_ =	sdelay $0x3  }
0x94: {  	_ =	strace s3  }
0x95: {  	s3 =	sld [smem:$0x3FFD];
	_ =	sdelay $0x3  }
0x96: {  	_ =	strace s3  }
0x97: {  	_ =	strace $0x8FFFFFFF  }
0x98: {  	s19 =	sld [smem:$0x3FDB];
	_ =	sdelay $0x1  }
0x99: {  	s4 =	simm.s32 $_scs_section_size  }
0x9a: {  	s5 =	simm.s32 $_size__tile_overlayer_lowered;
	s6 =	simm.s32 $_tile_overlayer_lowered  }
0x9b: {  	s22 =	simm.s32 $0x1BFF;
	s21 =	sshll.u32 s6, $0x1;
	s3 =	sadd.s32 s4, s19  }
0x9c: {  	s7 =	simm.s32 $0x0;
	s20 =	sshll.u32 s5, $0x1;
	s5 =	sadd.s32 s21, s3  }
0x9d: {  	[timem:s7], [sflag:s22] =	dma.local [hbm:s5], s20  }
0x9e: {  	_ =	swait.ge [sflag:s22], s20  }
0x9f: {  	s4 =	ssub.s32 $0x0, s20;
	[sflag:s22] =	ssyncset.done $0x0  }
0xa0: {  	[sflag:s22] =	ssyncadd.s32 s4;
	_ =	sdelay $0x1  }
0xa1: {  	s23 =	simm.s32 $0x1B8B  }
0xa2: {  	_ =	swait.ge [sflag:s23], $0x1  }
0xa3: {  	[sflag:s23] =	ssyncset.done $0x0  }
0xa4: {  	s25 =	simm.s32 $0x1B8E;
	s24 =	sld [smem:$0x3FFE];
	[sflag:s23] =	ssyncadd.s32 $0xFFFFFFFF  }
0xa5: {  	s26 =	simm.s32 $execute0_lowered;
	[smem:$0x3FD2] =	sst s25  }
0xa6: {  	s5 =	sshll.u32 s26, $0x1;
	_ =	strace $0x80000049;
	[dreg:$0x1] =	wrdreg $0xFFFFFFFF  }
0xa7: {  	s28 =	simm.s32 $_size_execute0_lowered;
	s3 =	sadd.s32 s3, s5;
	[dreg:$0x0] =	wrdreg $0x0  }
0xa8: {  	s5 =	sshll.u32 s28, $0x1;
	[dreg:$0x2] =	wrdreg s3  }
0xa9: {  	[dreg:$0x3] =	wrdreg s5  }
0xaa: {  	[dreg:$0x4] =	wrdreg $0xC0  }
0xab: {  	_ =	task [dreg:s7], $0x5FFFF  }
0xac: {  	[dreg:$0x1] =	wrdreg $0xFFFFFFFF  }
0xad: {  	[dreg:$0x0] =	wrdreg $0x60  }
0xae: {  	[dreg:$0x2] =	wrdreg s24  }
0xaf: {  	[dreg:$0x3] =	wrdreg s2  }
0xb0: {  	[dreg:$0x4] =	wrdreg $0xE0000  }
0xb1: {  	[dreg:$0x5] =	wrdreg $0x9  }
0xb2: {  	_ =	task.clear_ibuf [dreg:s7], $0x6FFFF;
	_ =	strace $0x90000049  }
0xb3: {  	s29 =	simm.s32 $0x9;
	_ =	strace $0x8000004B  }
0xb4: {  	_ =	swait.ge [sflag:s29], $0x1  }
0xb5: {  	[sflag:s29] =	ssyncadd.s32 $0xFFFFFFFF  }
0xb6: {  	_ =	strace $0x9000004B  }
0xb7: {  	_ =	sfence  }
0xb8: {  	s30 =	sld [smem:$0x0];
	_ =	sdelay $0x2  }
0xb9: {  	s31 =	sshll.u32 s1, $0xD;
	s1 =	sshrl.u32 s1, $0x2  }
0xba: {  	s3 =	sand.u32 $0x4000, s31;
	s1 =	sadd.s32 s1, s30  }
0xbb: {  	s0 =	sor.u32 s3, s0;
	s1 =	sshll.u32 s1, $0x11  }
0xbc: {  	s0 =	sor.u32 s1, s0  }
0xbd: {  	s0 =	sadd.s32 $0x8F2B, s0  }
0xbe: {  	[sflag:s0] =	ssyncadd.remote.s32 $0x1  }
0xbf: {  	_ =	sfence.sel $0xFFFF  }
0xc0: {  	[dreg:$0x0] =	wrdreg $0xFFFFFFFF;
	(pc) =	sbr.abs _section_cstart, $3  }
0xc1: {  	[dreg:$0x1] =	wrdreg $0xFFFFFFFF  }
0xc2: {  	_ =	task.clear_ibuf [dreg:s7], $0x2FFFF;
	_ =	strace $0x9FFFFFFF  }
0xc3: {  	(tm) =	ssettm $0x7FFFFFFF  }
tec
execute0_lowered:
.L_overlay_start_1:
0x0: {  	(tag) =	ssettag $0x1  }
0x1: {  	s0 =	rddreg [dreg:$0x0]  }
0x2: {  	s1 =	rddreg [dreg:$0x1]  }
0x3: {  	s2 =	rddreg [dreg:$0x2];
	s3 =	srdreg.scid;
	s4 =	simm.s32 $0x0  }
0x4: {  	s9 =	stileid.u32;
	s19 =	simm.s32 $0x9;
	s21 =	simm.s32 $0xD000  }
0x5: {  	s28 =	simm.s32 $0x9000;
	s30 =	simm.s32 $0xB000;
	s31 =	simm.s32 $0x1  }
0x6: {  	s20 =	simm.s32 $0x4;
	s3 =	sand.u32 $0x1, s3;
	s8 =	smul.u32 $0xA000, s9  }
0x7: {  	s29 =	simm.s32 $0x6;
	[smem:$0x7FF] =	sst s4;
	s5 =	smul.u32 $0xA0000, s3  }
0x8: {  	s6 =	sshll.u32 s3, $0x4;
	_ =	strace $0x8000004A;
	s3 =	ssub.s32 $0x2, s3  }
0x9: {  	s6 =	sor.u32 s9, s6;
	s7 =	sshrl.u32 s3, $0x1;
	s9 =	smul.u32 $0x28000, s9  }
0xa: {  	s25 =	sadd.s32 s8, s2;
	s6 =	smul.u32 $0x500, s6;
	s5 =	sadd.s32 s8, s5  }
0xb: {  	s3 =	ssub.s32 s3, s7;
	s25 =	sshrl.u32 s25, $0x3;
	s5 =	sshrl.u32 s5, $0x3  }
0xc: {  	s24 =	sshrl.u32 s9, $0x2;
	s3 =	smax.u32 s3, $0x1;
	s6 =	sadd.s32 s6, s0  }
0xd: {  	s0 =	sadd.s32 s5, s0;
	s7 =	sadd.s32 s24, s2;
	[dreg:$0x7] =	wrdreg s3  }
0xe: {  	s24 =	simm.s32 $0x7000;
	s3 =	simm.s32 $0x3;
	s5 =	simm.s32 $0x7  }
0xf: {  	s22 =	sadd.s32 $0xAE00, s6;
	s23 =	sadd.s32 $0xE00, s6;
	s0 =	sadd.s32 $0x14E00, s0  }
0x10: {  	s26 =	sadd.s32 $0x1000, s7;
	s11 =	sadd.s32 $0x2000, s7;
	s12 =	sadd.s32 $0x3000, s7  }
0x11: {  	s13 =	sadd.s32 $0x4000, s7;
	s14 =	sadd.s32 $0x5000, s7;
	[dreg:$0x4] =	wrdreg s22  }
0x12: {  	s15 =	sadd.s32 $0x6000, s7;
	s16 =	sadd.s32 $0x7000, s7;
	[dreg:$0x5] =	wrdreg s23  }
0x13: {  	s17 =	sadd.s32 $0x8000, s7;
	s18 =	sadd.s32 $0x9000, s7;
	[dreg:$0x6] =	wrdreg s0  }
0x14: {  	s6 =	simm.s32 $0x8;
	[dreg:$0x8] =	wrdreg s26;
	s22 =	simm.s32 $0x80  }
0x15: {  	v0 =	vimm.f32 $0.0e+00;
	s23 =	simm.s32 $0x5000;
	s0 =	simm.s32 $0x2;
	s26 =	simm.s32 $0x5  }
.LBB2_1:
0x16: {  	s9 =	simm.s32 $0x100;
	s8 =	simm.s32 $0x0  }
.LBB2_2:
0x17: {  	p0 =	sne.s32 s9, $0x3F00;
	[tilespmem:s8+$0xD030] =	vst v0;
	s10 =	smov.u32 s9;
	s9 =	sadd.s32 $0x100, s9  }
.Ltmp0:
0x18: {  	[tilespmem:s8+$0xD020] =	vst v0;
	(pc) =	sbr.rel @p0 .LBB2_2-.Ltmp0, $3  }
0x19: {  	[tilespmem:s8+$0xD000] =	vst v0  }
0x1a: {  	[tilespmem:s8+$0xD010] =	vst v0;
	_ =	sdelay $0x1  }
0x1b: {  	s8 =	sshra.s32 s10, $0x2  }
0x1c: {  	[tilespmem:s8+$0xD030] =	vst v0  }
0x1d: {  	[tilespmem:s8+$0xD020] =	vst v0  }
0x1e: {  	[tilespmem:s8+$0xD000] =	vst v0  }
0x1f: {  	[tilespmem:s8+$0xD010] =	vst v0;
	s8 =	simm.s32 $0x0;
	s9 =	rddreg [dreg:$0x4]  }
0x20: {  	[tilespmem:s8], [sflag:$0x9] =	stream.linear.gather [hbm4b:s9+s8], $0x2800, $0x38;
	[tilespmem:$0x18000] =	vst v63  }
0x21: {  	_ =	swait.ge [sflag:s19], $0x2800  }
0x22: {  	[sflag:s19] =	ssyncset.done $0x0  }
0x23: {  	s10 =	simm.s32 $0x2800;
	s9 =	rddreg [dreg:$0x5];
	[sflag:s19] =	ssyncadd.s32 $0xFFFFD800  }
0x24: {  	[tilespmem:s10], [sflag:$0x9] =	stream.linear.gather [hbm4b:s9+s8], $0x2800, $0x38;
	[tilespmem:$0x18000] =	vst v63  }
0x25: {  	_ =	swait.ge [sflag:s19], $0x2800  }
0x26: {  	[sflag:s19] =	ssyncset.done $0x0  }
0x27: {  	[sflag:s19] =	ssyncadd.s32 $0xFFFFD800  }
0x28: {  	[spmem:s7] =	stream.linear.scatter [tilespmem:s21], [sflag:$0x9], $0x1000, $0x38;
	[tilespmem:$0x18000] =	vst v63  }
0x29: {  	_ =	swait.ge [sflag:s19], $0x1000  }
0x2a: {  	[sflag:s19] =	ssyncset.done $0x0  }
0x2b: {  	s10 =	rddreg [dreg:$0x8];
	[sflag:s19] =	ssyncadd.s32 $0xFFFFF000  }
0x2c: {  	[spmem:s10] =	stream.linear.scatter [tilespmem:s21], [sflag:$0x9], $0x1000, $0x38;
	[tilespmem:$0x18000] =	vst v63  }
0x2d: {  	_ =	swait.ge [sflag:s19], $0x1000  }
0x2e: {  	[sflag:s19] =	ssyncset.done $0x0  }
0x2f: {  	[sflag:s19] =	ssyncadd.s32 $0xFFFFF000  }
0x30: {  	[spmem:s11] =	stream.linear.scatter [tilespmem:s21], [sflag:$0x9], $0x1000, $0x38;
	[tilespmem:$0x18000] =	vst v63  }
0x31: {  	_ =	swait.ge [sflag:s19], $0x1000  }
0x32: {  	[sflag:s19] =	ssyncset.done $0x0  }
0x33: {  	[sflag:s19] =	ssyncadd.s32 $0xFFFFF000  }
0x34: {  	[spmem:s12] =	stream.linear.scatter [tilespmem:s21], [sflag:$0x9], $0x1000, $0x38;
	[tilespmem:$0x18000] =	vst v63  }
0x35: {  	_ =	swait.ge [sflag:s19], $0x1000  }
0x36: {  	[sflag:s19] =	ssyncset.done $0x0  }
0x37: {  	[sflag:s19] =	ssyncadd.s32 $0xFFFFF000  }
0x38: {  	[spmem:s13] =	stream.linear.scatter [tilespmem:s21], [sflag:$0x9], $0x1000, $0x38;
	[tilespmem:$0x18000] =	vst v63  }
0x39: {  	_ =	swait.ge [sflag:s19], $0x1000  }
0x3a: {  	[sflag:s19] =	ssyncset.done $0x0  }
0x3b: {  	[sflag:s19] =	ssyncadd.s32 $0xFFFFF000  }
0x3c: {  	[spmem:s14] =	stream.linear.scatter [tilespmem:s21], [sflag:$0x9], $0x1000, $0x38;
	[tilespmem:$0x18000] =	vst v63  }
0x3d: {  	_ =	swait.ge [sflag:s19], $0x1000  }
0x3e: {  	[sflag:s19] =	ssyncset.done $0x0  }
0x3f: {  	[sflag:s19] =	ssyncadd.s32 $0xFFFFF000  }
0x40: {  	[spmem:s15] =	stream.linear.scatter [tilespmem:s21], [sflag:$0x9], $0x1000, $0x38;
	[tilespmem:$0x18000] =	vst v63  }
0x41: {  	_ =	swait.ge [sflag:s19], $0x1000  }
0x42: {  	[sflag:s19] =	ssyncset.done $0x0  }
0x43: {  	[sflag:s19] =	ssyncadd.s32 $0xFFFFF000  }
0x44: {  	[spmem:s16] =	stream.linear.scatter [tilespmem:s21], [sflag:$0x9], $0x1000, $0x38;
	[tilespmem:$0x18000] =	vst v63  }
0x45: {  	_ =	swait.ge [sflag:s19], $0x1000  }
0x46: {  	[sflag:s19] =	ssyncset.done $0x0  }
0x47: {  	[sflag:s19] =	ssyncadd.s32 $0xFFFFF000  }
0x48: {  	[spmem:s17] =	stream.linear.scatter [tilespmem:s21], [sflag:$0x9], $0x1000, $0x38;
	[tilespmem:$0x18000] =	vst v63  }
0x49: {  	_ =	swait.ge [sflag:s19], $0x1000  }
0x4a: {  	[sflag:s19] =	ssyncset.done $0x0  }
0x4b: {  	[sflag:s19] =	ssyncadd.s32 $0xFFFFF000  }
0x4c: {  	[spmem:s18] =	stream.linear.scatter [tilespmem:s21], [sflag:$0x9], $0x1000, $0x38;
	[tilespmem:$0x18000] =	vst v63  }
0x4d: {  	_ =	swait.ge [sflag:s19], $0x1000  }
0x4e: {  	[sflag:s19] =	ssyncset.done $0x0  }
0x4f: {  	[sflag:s19] =	ssyncadd.s32 $0xFFFFF000  }
0x50: {  	[bflag:$0x0] =	sbarrier.arrive $0xFFFF  }
0x51: {  	[tilespmem:s23], [sflag:$0x1] =	stream.indirect.gather [hbm4b:s1+s22], $0x40, s8, s22, $0xb8;
	[tilespmem:$0x18000] =	vst v63  }
0x52: {  	_ = 	snop  }
0x53: {  	[tilespmem:s24], [sflag:$0x2] =	stream.indirect.gather [hbm4b:s1+s22], $0x40, s22, s22, $0xb8;
	[tilespmem:$0x18000] =	vst v63  }
0x54: {  	s10 =	simm.s32 $0x100  }
0x55: {  	[tilespmem:s28], [sflag:$0x3] =	stream.indirect.gather [hbm4b:s1+s22], $0x40, s10, s22, $0xb8;
	[tilespmem:$0x18000] =	vst v63  }
0x56: {  	s9 =	simm.s32 $0x180  }
0x57: {  	[tilespmem:s30], [sflag:$0x4] =	stream.indirect.gather [hbm4b:s1+s22], $0x40, s9, s22, $0xb8;
	[tilespmem:$0x18000] =	vst v63  }
0x58: {  	_ =	swait.ge [sflag:s31], $0x2000  }
0x59: {  	[sflag:s31] =	ssyncset.done $0x0  }
0x5a: {  	s10 =	simm.s32 $0x2800;
	[sflag:s31] =	ssyncadd.s32 $0xFFFFE000  }
0x5b: {  	[spmem:s2] =	stream.indirect.scatter.add.f32 [tilespmem:s23], [sflag:$0x5], $0x40, s10, s22, $0xb8;
	[tilespmem:$0x18000] =	vst v63  }
0x5c: {  	_ =	swait.ge [sflag:s0], $0x2000  }
0x5d: {  	[sflag:s0] =	ssyncset.done $0x0  }
0x5e: {  	s9 =	simm.s32 $0x2880;
	[sflag:s0] =	ssyncadd.s32 $0xFFFFE000  }
0x5f: {  	[spmem:s2] =	stream.indirect.scatter.add.f32 [tilespmem:s24], [sflag:$0x6], $0x40, s9, s22, $0xb8;
	[tilespmem:$0x18000] =	vst v63  }
0x60: {  	_ =	swait.ge [sflag:s3], $0x2000  }
0x61: {  	[sflag:s3] =	ssyncset.done $0x0  }
0x62: {  	s10 =	simm.s32 $0x2900;
	[sflag:s3] =	ssyncadd.s32 $0xFFFFE000  }
0x63: {  	[spmem:s2] =	stream.indirect.scatter.add.f32 [tilespmem:s28], [sflag:$0x7], $0x40, s10, s22, $0xb8;
	[tilespmem:$0x18000] =	vst v63  }
0x64: {  	_ =	swait.ge [sflag:s20], $0x2000  }
0x65: {  	[sflag:s20] =	ssyncset.done $0x0  }
0x66: {  	s9 =	simm.s32 $0x2980;
	[sflag:s20] =	ssyncadd.s32 $0xFFFFE000  }
0x67: {  	[spmem:s2] =	stream.indirect.scatter.add.f32 [tilespmem:s30], [sflag:$0x8], $0x40, s9, s22, $0xb8;
	[tilespmem:$0x18000] =	vst v63  }
0x68: {  	_ =	swait.ge [sflag:s26], $0x2000  }
0x69: {  	[sflag:s26] =	ssyncset.done $0x0  }
0x6a: {  	s10 =	simm.s32 $0x200;
	[sflag:s26] =	ssyncadd.s32 $0xFFFFE000  }
0x6b: {  	[tilespmem:s23], [sflag:$0x1] =	stream.indirect.gather [hbm4b:s1+s22], $0x40, s10, s22, $0xb8;
	[tilespmem:$0x18000] =	vst v63  }
0x6c: {  	_ =	swait.ge [sflag:s29], $0x2000  }
0x6d: {  	[sflag:s29] =	ssyncset.done $0x0  }
0x6e: {  	s9 =	simm.s32 $0x280;
	[sflag:s29] =	ssyncadd.s32 $0xFFFFE000  }
0x6f: {  	[tilespmem:s24], [sflag:$0x2] =	stream.indirect.gather [hbm4b:s1+s22], $0x40, s9, s22, $0xb8;
	[tilespmem:$0x18000] =	vst v63  }
0x70: {  	_ =	swait.ge [sflag:s5], $0x2000  }
0x71: {  	[sflag:s5] =	ssyncset.done $0x0  }
0x72: {  	s10 =	simm.s32 $0x300;
	[sflag:s5] =	ssyncadd.s32 $0xFFFFE000  }
0x73: {  	[tilespmem:s28], [sflag:$0x3] =	stream.indirect.gather [hbm4b:s1+s22], $0x40, s10, s22, $0xb8;
	[tilespmem:$0x18000] =	vst v63  }
0x74: {  	_ =	swait.ge [sflag:s6], $0x2000  }
0x75: {  	[sflag:s6] =	ssyncset.done $0x0  }
0x76: {  	s8 =	simm.s32 $0x800;
	s9 =	simm.s32 $0x380;
	[sflag:s6] =	ssyncadd.s32 $0xFFFFE000  }
.LBB2_4:
0x77: {  	[tilespmem:s30], [sflag:$0x4] =	stream.indirect.gather [hbm4b:s1+s22], $0x40, s9, s22, $0xb8;
	[tilespmem:$0x18000] =	vst v63  }
0x78: {  	s9 =	smov.u32 s8  }
0x79: {  	p0 =	sne.s32 s8, $0x9000;
	s8 =	sadd.s32 $0x800, s8;
	_ =	swait.ge [sflag:s31], $0x2000  }
0x7a: {  	s9 =	sshra.s32 s9, $0x2;
	[sflag:s31] =	ssyncset.done $0x0  }
0x7b: {  	s10 =	sadd.s32 $0x2800, s9;
	[sflag:s31] =	ssyncadd.s32 $0xFFFFE000  }
0x7c: {  	[spmem:s2] =	stream.indirect.scatter.add.f32 [tilespmem:s23], [sflag:$0x5], $0x40, s10, s22, $0xb8;
	[tilespmem:$0x18000] =	vst v63  }
0x7d: {  	_ =	swait.ge [sflag:s0], $0x2000  }
0x7e: {  	[sflag:s0] =	ssyncset.done $0x0  }
0x7f: {  	s10 =	sadd.s32 $0x2880, s9;
	[sflag:s0] =	ssyncadd.s32 $0xFFFFE000  }
0x80: {  	[spmem:s2] =	stream.indirect.scatter.add.f32 [tilespmem:s24], [sflag:$0x6], $0x40, s10, s22, $0xb8;
	[tilespmem:$0x18000] =	vst v63  }
0x81: {  	_ =	swait.ge [sflag:s3], $0x2000  }
0x82: {  	[sflag:s3] =	ssyncset.done $0x0  }
0x83: {  	s10 =	sadd.s32 $0x2900, s9;
	[sflag:s3] =	ssyncadd.s32 $0xFFFFE000  }
0x84: {  	[spmem:s2] =	stream.indirect.scatter.add.f32 [tilespmem:s28], [sflag:$0x7], $0x40, s10, s22, $0xb8;
	[tilespmem:$0x18000] =	vst v63  }
0x85: {  	_ =	swait.ge [sflag:s20], $0x2000  }
0x86: {  	[sflag:s20] =	ssyncset.done $0x0  }
0x87: {  	s10 =	sadd.s32 $0x2980, s9;
	[sflag:s20] =	ssyncadd.s32 $0xFFFFE000  }
0x88: {  	[spmem:s2] =	stream.indirect.scatter.add.f32 [tilespmem:s30], [sflag:$0x8], $0x40, s10, s22, $0xb8;
	[tilespmem:$0x18000] =	vst v63  }
0x89: {  	_ =	swait.ge [sflag:s26], $0x2000  }
0x8a: {  	[sflag:s26] =	ssyncset.done $0x0  }
0x8b: {  	s10 =	sadd.s32 $0x200, s9;
	[sflag:s26] =	ssyncadd.s32 $0xFFFFE000  }
0x8c: {  	[tilespmem:s23], [sflag:$0x1] =	stream.indirect.gather [hbm4b:s1+s22], $0x40, s10, s22, $0xb8;
	[tilespmem:$0x18000] =	vst v63  }
0x8d: {  	_ =	swait.ge [sflag:s29], $0x2000  }
0x8e: {  	[sflag:s29] =	ssyncset.done $0x0  }
0x8f: {  	s10 =	sadd.s32 $0x280, s9;
	[sflag:s29] =	ssyncadd.s32 $0xFFFFE000  }
0x90: {  	[tilespmem:s24], [sflag:$0x2] =	stream.indirect.gather [hbm4b:s1+s22], $0x40, s10, s22, $0xb8;
	[tilespmem:$0x18000] =	vst v63  }
0x91: {  	_ =	swait.ge [sflag:s5], $0x2000  }
0x92: {  	[sflag:s5] =	ssyncset.done $0x0  }
.Ltmp1:
0x93: {  	s10 =	sadd.s32 $0x300, s9;
	[sflag:s5] =	ssyncadd.s32 $0xFFFFE000;
	(pc) =	sbr.rel @p0 .LBB2_4-.Ltmp1, $4  }
0x94: {  	[tilespmem:s28], [sflag:$0x3] =	stream.indirect.gather [hbm4b:s1+s22], $0x40, s10, s22, $0xb8;
	[tilespmem:$0x18000] =	vst v63  }
0x95: {  	_ =	swait.ge [sflag:s6], $0x2000  }
0x96: {  	[sflag:s6] =	ssyncset.done $0x0  }
0x97: {  	s9 =	sadd.s32 $0x380, s9;
	[sflag:s6] =	ssyncadd.s32 $0xFFFFE000  }
0x98: {  	[tilespmem:s30], [sflag:$0x4] =	stream.indirect.gather [hbm4b:s1+s22], $0x40, s9, s22, $0xb8;
	[tilespmem:$0x18000] =	vst v63  }
0x99: {  	_ =	swait.ge [sflag:s31], $0x2000  }
0x9a: {  	[sflag:s31] =	ssyncset.done $0x0  }
0x9b: {  	s8 =	simm.s32 $0x4E00;
	[sflag:s31] =	ssyncadd.s32 $0xFFFFE000  }
0x9c: {  	[spmem:s2] =	stream.indirect.scatter.add.f32 [tilespmem:s23], [sflag:$0x5], $0x40, s8, s22, $0xb8;
	[tilespmem:$0x18000] =	vst v63  }
0x9d: {  	_ =	swait.ge [sflag:s0], $0x2000  }
0x9e: {  	[sflag:s0] =	ssyncset.done $0x0  }
0x9f: {  	s10 =	simm.s32 $0x4E80;
	[sflag:s0] =	ssyncadd.s32 $0xFFFFE000  }
0xa0: {  	[spmem:s2] =	stream.indirect.scatter.add.f32 [tilespmem:s24], [sflag:$0x6], $0x40, s10, s22, $0xb8;
	[tilespmem:$0x18000] =	vst v63  }
0xa1: {  	_ =	swait.ge [sflag:s3], $0x2000  }
0xa2: {  	[sflag:s3] =	ssyncset.done $0x0  }
0xa3: {  	s9 =	simm.s32 $0x4F00;
	[sflag:s3] =	ssyncadd.s32 $0xFFFFE000  }
0xa4: {  	[spmem:s2] =	stream.indirect.scatter.add.f32 [tilespmem:s28], [sflag:$0x7], $0x40, s9, s22, $0xb8;
	[tilespmem:$0x18000] =	vst v63  }
0xa5: {  	_ =	swait.ge [sflag:s20], $0x2000  }
0xa6: {  	[sflag:s20] =	ssyncset.done $0x0  }
0xa7: {  	s10 =	simm.s32 $0x4F80;
	[sflag:s20] =	ssyncadd.s32 $0xFFFFE000  }
0xa8: {  	[spmem:s2] =	stream.indirect.scatter.add.f32 [tilespmem:s30], [sflag:$0x8], $0x40, s10, s22, $0xb8;
	[tilespmem:$0x18000] =	vst v63  }
0xa9: {  	_ =	swait.ge [sflag:s26], $0x2000  }
0xaa: {  	[sflag:s26] =	ssyncset.done $0x0  }
0xab: {  	[sflag:s26] =	ssyncadd.s32 $0xFFFFE000  }
0xac: {  	_ =	swait.ge [sflag:s29], $0x2000  }
0xad: {  	[sflag:s29] =	ssyncset.done $0x0  }
0xae: {  	[sflag:s29] =	ssyncadd.s32 $0xFFFFE000  }
0xaf: {  	_ =	swait.ge [sflag:s5], $0x2000  }
0xb0: {  	[sflag:s5] =	ssyncset.done $0x0  }
0xb1: {  	[sflag:s5] =	ssyncadd.s32 $0xFFFFE000  }
0xb2: {  	_ =	swait.ge [sflag:s6], $0x2000  }
0xb3: {  	[sflag:s6] =	ssyncset.done $0x0  }
0xb4: {  	s9 =	stileid.u32;
	[sflag:s6] =	ssyncadd.s32 $0xFFFFE000  }
0xb5: {  	s8 =	sshll.u32 s9, $0x6;
	[bflag:$0x0] =	sbarrier.arrive $0xFFFF  }
0xb6: {  	s8 =	sor.u32 $0x1C09, s8;
	s10 =	rddreg [dreg:$0x6]  }
0xb7: {  	[hbm:s10], [sflag:s8] =	dma.local [spmem:s25], $0x1400  }
0xb8: {  	_ =	swait.ge [sflag:s19], $0x1400  }
0xb9: {  	s4 =	sadd.s32 $0x1, s4;
	s10 =	rddreg [dreg:$0x7]  }
0xba: {  	p0 =	sne.s32 s4, s10  }
.Ltmp2:
0xbb: {  	_ = 	snop;
	(pc) =	sbr.rel @p0 .LBB2_1-.Ltmp2, $3  }
0xbc: {  	_ =	sdelay $0x1  }
0xbd: {  	[sflag:s19] =	ssyncset.done $0x0  }
0xbe: {  	[sflag:s19] =	ssyncadd.s32 $0xFFFFEC00  }
0xbf: {  	_ =	sfence.sel $0x180000  }
0xc0: {  	[bflag:$0x0] =	sbarrier.arrive $0xFFFF  }
0xc1: {  	_ =	strace $0x9000004A  }
0xc2: {  	s0 =	stileid.u32;
	[bflag:$0x2] =	sbarrier.arrive $0xFFFF  }
0xc3: {  	p0 =	sne.s32 s0, $0x0;
	s0 =	rddreg [dreg:$0x3]  }
0xc4: {  	s0 =	sadd.s32 @!p0 $0x100000, s0  }
0xc5: {  	[sflag:s0] =	ssyncadd.tile.s32 @!p0 $0x1;
	_ =	shalt  }
.Lfunc_end2:
_tile_overlayer_lowered:
.L_overlay_start_2:
0xc6: {  	(tag) =	ssettag $0x2  }
0xc7: {  	s0 =	rddreg [dreg:$0x0];
	s2 =	stileid.u32  }
0xc8: {  	s1 =	rddreg [dreg:$0x1];
	p0 =	sne.s32 s2, $0x0  }
0xc9: {  	s3 =	rddreg [dreg:$0x2];
	[bflag:$0x3] =	sbarrier.arrive $0xFFFF;
	s2 =	simm.s32 @!p0 $0x1C09  }
0xca: {  	[timem:s3], [sflag:s2] =	dma.local @!p0 [hbm:s0], s1  }
0xcb: {  	s0 =	simm.s32 @!p0 $0x9  }
0xcc: {  	_ =	swait.ge @!p0 [sflag:s0], s1  }
0xcd: {  	s1 =	ssub.s32 @!p0 $0x0, s1;
	[sflag:s0] =	ssyncset.done @!p0 $0x0  }
0xce: {  	[sflag:s0] =	ssyncadd.s32 @!p0 s1  }
0xcf: {  	[bflag:$0x3] =	sbarrier.arrive $0xFFFF  }
0xd0: {  	_ =	shalt  }

// kernel: kernel.7.cloned.1.call-start
scs
__scs_entry_jumppad:
0x0: {  	(pc) =	sbr.rel $0x88, $3  }
0x1: {  	(tag) =	ssettag $0x0;
	lr =	simm.s32 $0x1  }
0x2: {  	[smem:$0x3F9D] =	sst lr;
	_ =	strace $0xD0000000  }
0x3: {  	_ = 	snop  }
0x4: {  	_ = 	snop  }
0x5: {  	_ = 	snop  }
0x6: {  	_ = 	snop  }
0x7: {  	_ = 	snop  }
__scs_overlays_trampoline_lowered:
0x8: {  	[smem:$0x3FAC] =	sst s0  }
0x9: {  	[smem:$0x3FAD] =	sst s1  }
0xa: {  	[smem:$0x3FAE] =	sst s2  }
0xb: {  	[smem:$0x3FAF] =	sst s3  }
0xc: {  	[smem:$0x3FB0] =	sst s4  }
0xd: {  	[smem:$0x3FB1] =	sst s5  }
0xe: {  	[smem:$0x3FB2] =	sst s6  }
0xf: {  	[smem:$0x3FB3] =	sst s7  }
0x10: {  	[smem:$0x3FB4] =	sst s8  }
0x11: {  	[smem:$0x3FB5] =	sst s9;
	s0 =	simm.s32 @!p0 $0x0  }
0x12: {  	s1 =	sld [smem:$0x3F9B];
	s0 =	simm.s32 @p0 $0x1  }
0x13: {  	[smem:$0x3FB6] =	sst s0;
	s0 =	simm.s32 @!p1 $0x0  }
0x14: {  	s2 =	sld [smem:$0x3F9A];
	s0 =	simm.s32 @p1 $0x1  }
0x15: {  	[smem:$0x3FB7] =	sst s0;
	s0 =	simm.s32 @!p2 $0x0  }
0x16: {  	s3 =	sld [smem:$0x3FDB];
	s0 =	simm.s32 @p2 $0x1  }
0x17: {  	s4 =	simm.s32 $0x1BF5;
	[smem:$0x3FB9] =	sst s0  }
0x18: {  	s0 =	sld [smem:$0x3F9C];
	_ =	swait.ge [sflag:s4], $0x0  }
0x19: {  	s7 =	sld [smem:$0x3F9D]  }
0x1a: {  	s8 =	sadd.s32 $0xFFFFE003, lr  }
0x1b: {  	s9 =	sadd.s32 $0xFFFFFEF7, lr;
	s5 =	simm.s32 $0xFFFFFFFF;
	p2 =	slt.u32 s8, $0xFFFFF086  }
0x1c: {  	p1 =	slt.u32 s9, $0xF7A;
	s5 =	simm.s32 @!p2 $0x0  }
0x1d: {  	s5 =	simm.s32 @p1 $0x1;
	p0 =	seq.s32 s7, s2  }
0x1e: {  	s7 =	smul.u32 @!p0 $0xF7A, s2;
	p2 =	seq.s32 @!p0 s5, $0x0  }
0x1f: {  	s9 =	smul.u32 $0xF7A, s1;
	s8 =	simm.s32 @!p0 $0x1BF5;
	p2 =	por !p2, p0  }
0x20: {  	[sflag:s8] =	ssyncset.s32 @!p0 $0xFFFFF086;
	s6 =	sadd.s32 @!p0 s3, s7;
	s7 =	simm.s32 @!p0 $0x108  }
0x21: {  	s3 =	sadd.s32 s3, s9;
	s6 =	sadd.s32 @!p0 $0x88, s6;
	s7 =	simm.s32 @p2 $0x1082  }
0x22: {  	[simem:s7], [sflag:s8] =	dma.local @!p0 [hbm:s6], $0xF7A  }
0x23: {  	s9 =	sor.u32 $0xD0000000, s2;
	s6 =	simm.s32 $0x108;
	_ =	swait.ge @!p0 [sflag:s8], $0x0  }
0x24: {  	s3 =	sadd.s32 $0x88, s3;
	s6 =	simm.s32 @!p1 $0x1082;
	[sflag:s4] =	ssyncset.s32 $0xFFFFF086  }
0x25: {  	[simem:s6], [sflag:s4] =	dma.local [hbm:s3], $0xF7A  }
0x26: {  	[smem:$0x3F9D] =	sst s1;
	(tag) =	ssettag s2;
	_ =	strace s9  }
0x27: {  	s1 =	sld [smem:$0x3FAD]  }
0x28: {  	s2 =	sld [smem:$0x3FAE]  }
0x29: {  	s4 =	sld [smem:$0x3FB0]  }
0x2a: {  	p0 =	seq.s32 s5, $0x0;
	s5 =	sld [smem:$0x3FB1]  }
0x2b: {  	s6 =	sld [smem:$0x3FB2]  }
0x2c: {  	s7 =	sld [smem:$0x3FB3]  }
0x2d: {  	s3 =	simm.s32 $0x108;
	s8 =	sld [smem:$0x3FB4]  }
0x2e: {  	s3 =	simm.s32 @!p0 $0x1082;
	s9 =	sld [smem:$0x3FB5]  }
0x2f: {  	lr =	sadd.s32 s0, s3;
	s0 =	sld [smem:$0x3FAC]  }
0x30: {  	s3 =	sld [smem:$0x3FAF]  }
0x31: {  	[smem:$0x3FB8] =	sst s10  }
0x32: {  	s10 =	sld [smem:$0x3FB6];
	_ =	sdelay $0x3  }
0x33: {  	p0 =	seq.s32 s10, $0x1;
	s10 =	sld [smem:$0x3FB8];
	_ =	sdelay $0x3  }
0x34: {  	[smem:$0x3FB8] =	sst s10  }
0x35: {  	s10 =	sld [smem:$0x3FB7];
	_ =	sdelay $0x3  }
0x36: {  	p1 =	seq.s32 s10, $0x1;
	s10 =	sld [smem:$0x3FB8];
	_ =	sdelay $0x3  }
0x37: {  	[smem:$0x3FB8] =	sst s10  }
0x38: {  	s10 =	sld [smem:$0x3FB9]  }
0x39: {  	_ = 	snop;
	(pc) =	sbr.ind lr, $3  }
0x3a: {  	_ = 	snop  }
0x3b: {  	_ = 	snop  }
0x3c: {  	p2 =	seq.s32 s10, $0x1;
	s10 =	sld [smem:$0x3FB8]  }
0x3d: {  	_ =	shalt  }
0x3e: {  	_ =	shalt  }
0x3f: {  	_ =	shalt  }
0x40: {  	_ =	shalt  }
0x41: {  	_ =	shalt  }
0x42: {  	_ =	shalt  }
0x43: {  	_ =	shalt  }
0x44: {  	_ =	shalt  }
0x45: {  	_ =	shalt  }
0x46: {  	_ =	shalt  }
0x47: {  	_ =	shalt  }
0x48: {  	_ =	shalt  }
0x49: {  	_ =	shalt  }
0x4a: {  	_ =	shalt  }
0x4b: {  	_ =	shalt  }
0x4c: {  	_ =	shalt  }
0x4d: {  	_ =	shalt  }
0x4e: {  	_ =	shalt  }
0x4f: {  	_ =	shalt  }
0x50: {  	_ =	shalt  }
0x51: {  	_ =	shalt  }
0x52: {  	_ =	shalt  }
0x53: {  	_ =	shalt  }
0x54: {  	_ =	shalt  }
0x55: {  	_ =	shalt  }
0x56: {  	_ =	shalt  }
0x57: {  	_ =	shalt  }
0x58: {  	_ =	shalt  }
0x59: {  	_ =	shalt  }
0x5a: {  	_ =	shalt  }
0x5b: {  	_ =	shalt  }
0x5c: {  	_ =	shalt  }
0x5d: {  	_ =	shalt  }
0x5e: {  	_ =	shalt  }
0x5f: {  	_ =	shalt  }
0x60: {  	_ =	shalt  }
0x61: {  	_ =	shalt  }
0x62: {  	_ =	shalt  }
0x63: {  	_ =	shalt  }
0x64: {  	_ =	shalt  }
0x65: {  	_ =	shalt  }
0x66: {  	_ =	shalt  }
0x67: {  	_ =	shalt  }
0x68: {  	_ =	shalt  }
0x69: {  	_ =	shalt  }
0x6a: {  	_ =	shalt  }
0x6b: {  	_ =	shalt  }
0x6c: {  	_ =	shalt  }
0x6d: {  	_ =	shalt  }
0x6e: {  	_ =	shalt  }
0x6f: {  	_ =	shalt  }
0x70: {  	_ =	shalt  }
0x71: {  	_ =	shalt  }
0x72: {  	_ =	shalt  }
0x73: {  	_ =	shalt  }
0x74: {  	_ =	shalt  }
0x75: {  	_ =	shalt  }
0x76: {  	_ =	shalt  }
0x77: {  	_ =	shalt  }
0x78: {  	_ =	shalt  }
0x79: {  	_ =	shalt  }
0x7a: {  	_ =	shalt  }
0x7b: {  	_ =	shalt  }
0x7c: {  	_ =	shalt  }
0x7d: {  	_ =	shalt  }
0x7e: {  	_ =	shalt  }
0x7f: {  	_ =	shalt  }
0x80: {  	_ =	shalt  }
0x81: {  	_ =	shalt  }
0x82: {  	_ =	shalt  }
0x83: {  	_ =	shalt  }
0x84: {  	_ =	shalt  }
0x85: {  	_ =	shalt  }
0x86: {  	_ =	shalt  }
0x87: {  	_ =	shalt  }
.Lfunc_end0:
.L_simem_size_0:
called_computation_lowered:
.L_overlay_start_0:
0x88: {  	s2 =	sld [smem:$0x3FD9]  }
0x89: {  	s3 =	sld [smem:$0x3FFE];
	_ =	sdelay $0x1  }
0x8a: {  	s1 =	srdreg.scid  }
0x8b: {  	s0 =	sand.u32 $0x1, s1  }
0x8c: {  	s17 =	sshll.u32 s0, $0xA;
	s2 =	sadd.s32 s3, s2  }
0x8d: {  	s2 =	sadd.s32 s2, s17  }
0x8e: {  	[smem:$0x3FC4] =	sst s2  }
0x8f: {  	_ = 	snop  }
0x90: {  	s2 =	sld [smem:$0x3FD0];
	(tm) =	ssettm $0x1  }
0x91: {  	s18 =	sld [smem:$0x3FFB];
	_ =	sdelay $0x3  }
0x92: {  	_ =	strace s18  }
0x93: {  	s3 =	sld [smem:$0x3FFC];
	_ =	sdelay $0x3  }
0x94: {  	_ =	strace s3  }
0x95: {  	s3 =	sld [smem:$0x3FFD];
	_ =	sdelay $0x3  }
0x96: {  	_ =	strace s3  }
0x97: {  	_ =	strace $0x8FFFFFFF  }
0x98: {  	s19 =	sld [smem:$0x3FDB];
	_ =	sdelay $0x1  }
0x99: {  	s4 =	simm.s32 $_scs_section_size  }
0x9a: {  	s5 =	simm.s32 $_size__tile_overlayer_lowered;
	s6 =	simm.s32 $_tile_overlayer_lowered  }
0x9b: {  	s22 =	simm.s32 $0x1BFF;
	s21 =	sshll.u32 s6, $0x1;
	s3 =	sadd.s32 s4, s19  }
0x9c: {  	s7 =	simm.s32 $0x0;
	s20 =	sshll.u32 s5, $0x1;
	s5 =	sadd.s32 s21, s3  }
0x9d: {  	[timem:s7], [sflag:s22] =	dma.local [hbm:s5], s20  }
0x9e: {  	_ =	swait.ge [sflag:s22], s20  }
0x9f: {  	s4 =	ssub.s32 $0x0, s20;
	[sflag:s22] =	ssyncset.done $0x0  }
0xa0: {  	[sflag:s22] =	ssyncadd.s32 s4;
	_ =	sdelay $0x1  }
0xa1: {  	s23 =	simm.s32 $0x1B8B  }
0xa2: {  	_ =	swait.ge [sflag:s23], $0x1  }
0xa3: {  	[sflag:s23] =	ssyncset.done $0x0  }
0xa4: {  	s25 =	simm.s32 $0x1B8E;
	s24 =	sld [smem:$0x3FFE];
	[sflag:s23] =	ssyncadd.s32 $0xFFFFFFFF  }
0xa5: {  	s26 =	simm.s32 $execute0_lowered;
	[smem:$0x3FD2] =	sst s25  }
0xa6: {  	s5 =	sshll.u32 s26, $0x1;
	_ =	strace $0x80000046;
	[dreg:$0x1] =	wrdreg $0xFFFFFFFF  }
0xa7: {  	s28 =	simm.s32 $_size_execute0_lowered;
	s3 =	sadd.s32 s3, s5;
	[dreg:$0x0] =	wrdreg $0x0  }
0xa8: {  	s5 =	sshll.u32 s28, $0x1;
	[dreg:$0x2] =	wrdreg s3  }
0xa9: {  	[dreg:$0x3] =	wrdreg s5  }
0xaa: {  	[dreg:$0x4] =	wrdreg $0xC0  }
0xab: {  	_ =	task [dreg:s7], $0x5FFFF  }
0xac: {  	[dreg:$0x1] =	wrdreg $0xFFFFFFFF  }
0xad: {  	[dreg:$0x0] =	wrdreg $0x60  }
0xae: {  	[dreg:$0x2] =	wrdreg s24  }
0xaf: {  	[dreg:$0x3] =	wrdreg s2  }
0xb0: {  	[dreg:$0x4] =	wrdreg $0x55000  }
0xb1: {  	[dreg:$0x5] =	wrdreg $0x9  }
0xb2: {  	_ =	task.clear_ibuf [dreg:s7], $0x6FFFF;
	_ =	strace $0x90000046  }
0xb3: {  	s29 =	simm.s32 $0x9;
	_ =	strace $0x80000048  }
0xb4: {  	_ =	swait.ge [sflag:s29], $0x1  }
0xb5: {  	[sflag:s29] =	ssyncadd.s32 $0xFFFFFFFF  }
0xb6: {  	_ =	strace $0x90000048  }
0xb7: {  	_ =	sfence  }
0xb8: {  	s30 =	sld [smem:$0x0];
	_ =	sdelay $0x2  }
0xb9: {  	s31 =	sshll.u32 s1, $0xD;
	s1 =	sshrl.u32 s1, $0x2  }
0xba: {  	s3 =	sand.u32 $0x4000, s31;
	s1 =	sadd.s32 s1, s30  }
0xbb: {  	s0 =	sor.u32 s3, s0;
	s1 =	sshll.u32 s1, $0x11  }
0xbc: {  	s0 =	sor.u32 s1, s0  }
0xbd: {  	s0 =	sadd.s32 $0x8F2B, s0  }
0xbe: {  	[sflag:s0] =	ssyncadd.remote.s32 $0x1  }
0xbf: {  	_ =	sfence.sel $0xFFFF  }
0xc0: {  	[dreg:$0x0] =	wrdreg $0xFFFFFFFF;
	(pc) =	sbr.abs _section_cstart, $3  }
0xc1: {  	[dreg:$0x1] =	wrdreg $0xFFFFFFFF  }
0xc2: {  	_ =	task.clear_ibuf [dreg:s7], $0x2FFFF;
	_ =	strace $0x9FFFFFFF  }
0xc3: {  	(tm) =	ssettm $0x7FFFFFFF  }
tec
execute0_lowered:
.L_overlay_start_1:
0x0: {  	(tag) =	ssettag $0x1  }
0x1: {  	s4 =	rddreg [dreg:$0x0]  }
0x2: {  	s0 =	srdreg.scid;
	s6 =	rddreg [dreg:$0x1]  }
0x3: {  	s5 =	rddreg [dreg:$0x2];
	s3 =	sand.u32 $0x1, s0;
	s0 =	stileid.u32  }
0x4: {  	s2 =	simm.s32 $0x0;
	s12 =	simm.s32 $0x0;
	s8 =	smul.u32 $0x280, s0  }
0x5: {  	s1 =	sshll.u32 s3, $0x4;
	s9 =	ssub.s32 $0x2, s3;
	s3 =	smul.u32 $0x2800, s3  }
0x6: {  	[smem:$0x7FF] =	sst s2;
	s11 =	smul.u32 $0xA000, s0;
	s1 =	sor.u32 s0, s1  }
0x7: {  	s10 =	sshrl.u32 s9, $0x1;
	s7 =	smul.u32 $0x500, s1;
	s1 =	rddreg [dreg:$0x3]  }
0x8: {  	_ =	strace $0x80000047;
	s29 =	ssub.s32 s9, s10;
	s30 =	sadd.s32 s8, s3  }
0x9: {  	s31 =	sshrl.u32 s11, $0x2;
	s10 =	simm.s32 $0x5000;
	s9 =	sshrl.u32 s30, $0x3  }
0xa: {  	s11 =	simm.s32 $0x5280;
	s4 =	sadd.s32 s7, s4;
	s6 =	sadd.s32 s6, s9  }
0xb: {  	s7 =	smax.u32 s29, $0x1;
	s9 =	simm.s32 $0x2800;
	s3 =	sadd.s32 $0xE00, s4  }
0xc: {  	v0 =	vimm.f32 $0.0e+00;
	v1 =	vimm.f32 $1.000000000e+00;
	s4 =	sadd.s32 s31, s5;
	s5 =	sadd.s32 s8, s5;
	s8 =	simm.s32 $0x1  }
.LBB2_1:
0xd: {  	s13 =	simm.s32 $0x40;
	s14 =	simm.s32 $0x0  }
.LBB2_2:
0xe: {  	p0 =	sne.s32 s13, $0x9FC0;
	[tilespmem:s14+$0x2800] =	vst v0;
	s14 =	smov.u32 s13;
	s13 =	sadd.s32 $0x40, s13  }
.Ltmp0:
0xf: {  	(pc) =	sbr.rel @p0 .LBB2_2-.Ltmp0, $2  }
0x10: {  	_ =	sdelay $0x2  }
0x11: {  	s14 =	sshra.s32 s14, $0x2  }
0x12: {  	[tilespmem:s14+$0x2800] =	vst v0;
	s13 =	simm.s32 $0x0  }
0x13: {  	[tilespmem:s13], [sflag:$0x1] =	stream.linear.gather [hbm4b:s3+s13], $0x2800, $0x38;
	[tilespmem:$0x7D00] =	vst v63  }
0x14: {  	_ =	swait.ge [sflag:s8], $0x2800  }
0x15: {  	[sflag:s8] =	ssyncset.done $0x0  }
0x16: {  	s14 =	simm.s32 $0x0;
	s13 =	simm.s32 $0x40;
	[sflag:s8] =	ssyncadd.s32 $0xFFFFD800  }
.LBB2_4:
0x17: {  	p0 =	sne.s32 s13, $0x9FC0;
	v2 =	vld [tilespmem:s14+$0x0];
	_ =	sdelay $0x3  }
.Ltmp1:
0x18: {  	(pc) =	sbr.rel @p0 .LBB2_4-.Ltmp1, $2  }
0x19: {  	_ =	sdelay $0x2  }
0x1a: {  	s14 =	sshra.s32 s13, $0x2;
	s13 =	sadd.s32 $0x40, s13;
	[tilespmem:v2+s9+$0x0] =	vst.idx.add.f32.msk $0xffff, v1  }
0x1b: {  	v2 =	vld [tilespmem:s14+$0x0];
	_ =	sdelay $0x7  }
0x1c: {  	[tilespmem:v2+s9+$0x0] =	vst.idx.add.f32.msk $0xffff, v1  }
0x1d: {  	[spmem:s4] =	stream.linear.scatter [tilespmem:s9], [sflag:$0x1], $0x2800, $0x38;
	[tilespmem:$0x7D00] =	vst v63  }
0x1e: {  	_ =	swait.ge [sflag:s8], $0x2800  }
0x1f: {  	[sflag:s8] =	ssyncset.done $0x0  }
0x20: {  	[sflag:s8] =	ssyncadd.s32 $0xFFFFD800  }
0x21: {  	[bflag:$0x0] =	sbarrier.arrive $0xFFFF  }
0x22: {  	[tilespmem:s10], [sflag:$0x1] =	stream.linear.gather [spmem:s5], $0x280, $0x38;
	[tilespmem:$0x7D00] =	vst v63  }
0x23: {  	_ =	swait.ge [sflag:s8], $0x280  }
0x24: {  	[sflag:s8] =	ssyncset.done $0x0  }
0x25: {  	s13 =	simm.s32 $0x0;
	[sflag:s8] =	ssyncadd.s32 $0xFFFFFD80  }
.LBB2_7:
0x26: {  	s13 =	sadd.s32 $0x1, s13  }
0x27: {  	s14 =	smul.u32 $0xA000, s13;
	_ =	sdelay $0x1  }
0x28: {  	s14 =	sshra.s32 s14, $0x2  }
0x29: {  	s14 =	sadd.s32 s14, s5  }
0x2a: {  	[tilespmem:s11], [sflag:$0x1] =	stream.linear.gather [spmem:s14], $0x280, $0x38;
	[tilespmem:$0x7D00] =	vst v63  }
0x2b: {  	_ =	swait.ge [sflag:s8], $0x280  }
0x2c: {  	[sflag:s8] =	ssyncset.done $0x0  }
0x2d: {  	s14 =	simm.s32 $0x0;
	[sflag:s8] =	ssyncadd.s32 $0xFFFFFD80  }
0x2e: {  	s15 =	simm.s32 $0x40;
	v2 =	vld [tilespmem:s14+$0x5280]  }
.LBB2_8:
0x2f: {  	p0 =	seq.s32 s15, $0x9C0;
	v3 =	vld [tilespmem:s14+$0x5000];
	_ =	sdelay $0x2  }
.Ltmp2:
0x30: {  	(pc) =	sbr.rel @!p0 .LBB2_8-.Ltmp2, $4  }
0x31: {  	_ = 	snop  }
0x32: {  	v3 =	vadd.f32 v2, v3  }
0x33: {  	s16 =	sshra.s32 s15, $0x2  }
0x34: {  	s15 =	sadd.s32 $0x40, s15;
	v2 =	vld [tilespmem:s16+$0x5280];
	[tilespmem:s14+$0x5000] =	vst v3;
	s14 =	smov.u32 s16  }
0x35: {  	v3 =	vld [tilespmem:s14+$0x5000];
	_ =	sdelay $0x4  }
0x36: {  	v2 =	vadd.f32 v2, v3;
	_ =	sdelay $0x1  }
0x37: {  	[tilespmem:s14+$0x5000] =	vst v2  }
0x38: {  	p0 =	seq.s32 s13, $0xF  }
.Ltmp3:
0x39: {  	_ = 	snop;
	(pc) =	sbr.rel @!p0 .LBB2_7-.Ltmp3, $1  }
0x3a: {  	_ =	sdelay $0x3  }
0x3b: {  	s12 =	sadd.s32 $0x1, s12  }
0x3c: {  	p0 =	sne.s32 s12, s7  }
.Ltmp4:
0x3d: {  	_ = 	snop;
	(pc) =	sbr.rel @p0 .LBB2_1-.Ltmp4, $4  }
0x3e: {  	[hbm4b:s6+s2] =	stream.linear.scatter [tilespmem:s10], [sflag:$0x1], $0x280, $0x38;
	[tilespmem:$0x7D00] =	vst v63  }
0x3f: {  	_ =	swait.ge [sflag:s8], $0x280  }
0x40: {  	[sflag:s8] =	ssyncset.done $0x0  }
0x41: {  	[sflag:s8] =	ssyncadd.s32 $0xFFFFFD80  }
0x42: {  	_ =	sfence.sel $0x180000  }
0x43: {  	[bflag:$0x0] =	sbarrier.arrive $0xFFFF  }
0x44: {  	p0 =	sne.s32 s0, $0x0;
	_ =	strace $0x90000047  }
0x45: {  	s0 =	sadd.s32 @!p0 $0x100000, s1;
	[bflag:$0x2] =	sbarrier.arrive $0xFFFF  }
0x46: {  	[sflag:s0] =	ssyncadd.tile.s32 @!p0 $0x1;
	_ =	shalt  }
.Lfunc_end2:
_tile_overlayer_lowered:
.L_overlay_start_2:
0x47: {  	(tag) =	ssettag $0x2  }
0x48: {  	s0 =	rddreg [dreg:$0x0];
	s2 =	stileid.u32  }
0x49: {  	s1 =	rddreg [dreg:$0x1];
	p0 =	sne.s32 s2, $0x0  }
0x4a: {  	s3 =	rddreg [dreg:$0x2];
	[bflag:$0x3] =	sbarrier.arrive $0xFFFF;
	s2 =	simm.s32 @!p0 $0x1C01  }
0x4b: {  	[timem:s3], [sflag:s2] =	dma.local @!p0 [hbm:s0], s1  }
0x4c: {  	s0 =	simm.s32 @!p0 $0x1  }
0x4d: {  	_ =	swait.ge @!p0 [sflag:s0], s1  }
0x4e: {  	s1 =	ssub.s32 @!p0 $0x0, s1;
	[sflag:s0] =	ssyncset.done @!p0 $0x0  }
0x4f: {  	[sflag:s0] =	ssyncadd.s32 @!p0 s1  }
0x50: {  	[bflag:$0x3] =	sbarrier.arrive $0xFFFF  }
0x51: {  	_ =	shalt  }

</sc_bundles>
